<compile_context>
chip_gen: v7x
topology: tpu7x:2x2x1
jax: 0.10.2.dev20260603
libtpu: 0.0.44.dev20260713+nightly
codegen_flags: <defaults>
</compile_context>

<pallas_src>
import functools

import jax
import jax.numpy as jnp
from jax import lax
from jax.experimental import pallas as pl
from jax.experimental.pallas import tpu as pltpu
from jax.experimental.pallas import tpu_sc as plsc

B, T, C = 1, 2048, 768
E = 8
DFF = 1536

BK = 256
NBLK = T // BK
NSTEPS = (2 * T) // BK + E - 1
S = NSTEPS * BK

NC, NS = 2, 16
NW = NC * NS
TW = T // NW


def _ln(x, w, b):
    m = jnp.mean(x, axis=-1, keepdims=True)
    v = jnp.mean(jnp.square(x - m), axis=-1, keepdims=True)
    return (x - m) / jnp.sqrt(v + 1e-5) * w + b


def _route_kernel(x_ref, ln1_w_ref, ln1_b_ref, ln2_w_ref, ln2_b_ref,
                  W_att_ref, W_conf_t_ref, W_diff_ref, W_aff_ref,
                  xa_ref, h0_ref, h1_ref, pos0_ref, pos1_ref, eos_ref):
    x = x_ref[...]
    x_ln = _ln(x, ln1_w_ref[...], ln1_b_ref[...])
    att = jnp.dot(x_ln, W_att_ref[...], preferred_element_type=jnp.float32)
    xa = x + att
    xa_ref[...] = xa
    h = _ln(xa, ln2_w_ref[...], ln2_b_ref[...])

    conf = jax.nn.sigmoid(
        jnp.dot(h, W_conf_t_ref[...], preferred_element_type=jnp.float32))
    diff = jax.nn.sigmoid(
        jnp.dot(h, W_diff_ref[...], preferred_element_type=jnp.float32))
    aff = jnp.dot(h, W_aff_ref[...], preferred_element_type=jnp.float32)
    amax = jnp.max(aff, axis=-1, keepdims=True)
    ex = jnp.exp(aff - amax)
    subsidy = ex / jnp.sum(ex, axis=-1, keepdims=True)
    bids = conf * diff + 0.1 * subsidy

    iota = lax.broadcasted_iota(jnp.int32, (T, E), 1)
    m1 = jnp.max(bids, axis=-1, keepdims=True)
    i1 = jnp.min(jnp.where(bids >= m1, iota, E), axis=-1, keepdims=True)
    oh1 = (iota == i1)
    bids2 = jnp.where(oh1, -jnp.inf, bids)
    m2 = jnp.max(bids2, axis=-1, keepdims=True)
    i2 = jnp.min(jnp.where(bids2 >= m2, iota, E), axis=-1, keepdims=True)
    oh2 = (iota == i2)
    u = jnp.exp(m2 - m1)
    w0 = 1.0 / (1.0 + u)
    w1 = u / (1.0 + u)
    h0_ref[...] = h * jnp.sqrt(w0)
    h1_ref[...] = h * jnp.sqrt(w1)

    G = jnp.where(oh1 | oh2, 1.0, 0.0)
    ir = lax.broadcasted_iota(jnp.int32, (BK, BK), 0)
    ic = lax.broadcasted_iota(jnp.int32, (BK, BK), 1)
    tril = jnp.where(ir > ic, 1.0, 0.0)
    off = jnp.zeros((1, E), jnp.float32)
    blocks = []
    for b in range(NBLK):
        Gb = lax.slice(G, (b * BK, 0), ((b + 1) * BK, E))
        pb = jnp.dot(tril, Gb, preferred_element_type=jnp.float32)
        blocks.append(pb + off)
        off = off + jnp.sum(Gb, axis=0, keepdims=True)
    P_excl = jnp.concatenate(blocks, axis=0)
    n = off

    stepsf = jnp.floor((n + (BK - 1)) * (1.0 / BK))
    ir8 = lax.broadcasted_iota(jnp.int32, (E, E), 0)
    ic8 = lax.broadcasted_iota(jnp.int32, (E, E), 1)
    u_incl = jnp.where(ir8 <= ic8, 1.0, 0.0)
    u_excl = jnp.where(ir8 < ic8, 1.0, 0.0)
    stepsb = jnp.broadcast_to(stepsf, (E, E))
    cs_incl = jnp.dot(stepsb, u_incl,
                      preferred_element_type=jnp.float32)[0:1]
    cs_excl = jnp.dot(stepsb, u_excl,
                      preferred_element_type=jnp.float32)[0:1]
    base_row = cs_excl * float(BK)

    tgt = base_row + P_excl
    pos0 = jnp.sum(jnp.where(oh1, tgt, 0.0), axis=-1, keepdims=True)
    pos1 = jnp.sum(jnp.where(oh2, tgt, 0.0), axis=-1, keepdims=True)
    pos0_ref[...] = pos0.astype(jnp.int32)
    pos1_ref[...] = pos1.astype(jnp.int32)

    meta = jnp.concatenate([cs_excl, stepsf], axis=1)
    eos_ref[...] = meta.astype(jnp.int32)


def _stage_a(x2, ln1_w, ln1_b, ln2_w, ln2_b, W_att, W_conf, W_diff, W_aff):
    return pl.pallas_call(
        _route_kernel,
        out_shape=[
            jax.ShapeDtypeStruct((T, C), jnp.float32),
            jax.ShapeDtypeStruct((T, C), jnp.float32),
            jax.ShapeDtypeStruct((T, C), jnp.float32),
            jax.ShapeDtypeStruct((T, 1), jnp.int32),
            jax.ShapeDtypeStruct((T, 1), jnp.int32),
            jax.ShapeDtypeStruct((1, 2 * E), jnp.int32),
        ],
    )(x2, ln1_w.reshape(1, C), ln1_b.reshape(1, C),
      ln2_w.reshape(1, C), ln2_b.reshape(1, C),
      W_att, W_conf.T, W_diff, W_aff)


def _gmm_kernel(meta_ref, hs_ref, W1_ref, W2_ref, out_ref):
    e = pl.program_id(0)
    n = pl.program_id(1)
    start = meta_ref[e]
    nblk = meta_ref[E + e]

    def body(j, _):
        r0 = (start + j) * BK
        hid = jnp.dot(hs_ref[pl.ds(r0, BK), :], W1_ref[0],
                      preferred_element_type=jnp.float32)
        hid = jnp.square(jnp.maximum(hid, 0.0))
        contrib = jnp.dot(hid, W2_ref[0], preferred_element_type=jnp.float32)

        @pl.when(n == 0)
        def _():
            out_ref[pl.ds(r0, BK), :] = contrib

        @pl.when(n == 1)
        def _():
            out_ref[pl.ds(r0, BK), :] = out_ref[pl.ds(r0, BK), :] + contrib

        return 0

    lax.fori_loop(0, nblk, body, 0)


def _stage_c(meta, h_sorted, W1, W2):
    grid_spec = pltpu.PrefetchScalarGridSpec(
        num_scalar_prefetch=1,
        grid=(E, 2),
        in_specs=[
            pl.BlockSpec((S, C), lambda e, n, meta: (0, 0)),
            pl.BlockSpec((1, C, DFF // 2), lambda e, n, meta: (e, 0, n)),
            pl.BlockSpec((1, DFF // 2, C), lambda e, n, meta: (e, n, 0)),
        ],
        out_specs=pl.BlockSpec((S, C), lambda e, n, meta: (0, 0)),
    )
    return pl.pallas_call(
        _gmm_kernel,
        grid_spec=grid_spec,
        out_shape=jax.ShapeDtypeStruct((S, C), jnp.float32),
    )(meta, h_sorted, W1, W2)


@functools.cache
def _sc_kernels():
    mesh = plsc.VectorSubcoreMesh(core_axis_name="c", subcore_axis_name="s")

    @functools.partial(
        pl.kernel,
        out_type=jax.ShapeDtypeStruct((S, C), jnp.float32),
        mesh=mesh,
        scratch_types=[
            pltpu.VMEM((TW,), jnp.int32),
            pltpu.VMEM((TW,), jnp.int32),
            pltpu.VMEM((TW, C), jnp.float32),
            pltpu.VMEM((TW, C), jnp.float32),
            pltpu.SemaphoreType.DMA,
            pltpu.SemaphoreType.DMA,
            pltpu.SemaphoreType.DMA,
            pltpu.SemaphoreType.DMA,
        ],
    )
    def _sc_dispatch(h0_hbm, h1_hbm, pos0_hbm, pos1_hbm, hs_hbm,
                     idx0_v, idx1_v, rows0_v, rows1_v, s0, s1, s2, s3):
        wid = lax.axis_index("s") * NC + lax.axis_index("c")
        base = wid * TW
        pltpu.sync_copy(pos0_hbm.at[pl.ds(base, TW)], idx0_v)
        pltpu.sync_copy(pos1_hbm.at[pl.ds(base, TW)], idx1_v)
        c0 = pltpu.async_copy(h0_hbm.at[pl.ds(base, TW)], rows0_v, s0)
        c1 = pltpu.async_copy(h1_hbm.at[pl.ds(base, TW)], rows1_v, s1)
        c0.wait()
        w0 = pltpu.async_copy(rows0_v, hs_hbm.at[idx0_v], s2)
        c1.wait()
        w1 = pltpu.async_copy(rows1_v, hs_hbm.at[idx1_v], s3)
        w0.wait()
        w1.wait()

    @functools.partial(
        pl.kernel,
        out_type=[
            jax.ShapeDtypeStruct((T, C), jnp.float32),
            jax.ShapeDtypeStruct((T, C), jnp.float32),
        ],
        mesh=mesh,
        scratch_types=[
            pltpu.VMEM((TW,), jnp.int32),
            pltpu.VMEM((TW,), jnp.int32),
            pltpu.VMEM((TW, C), jnp.float32),
            pltpu.VMEM((TW, C), jnp.float32),
            pltpu.SemaphoreType.DMA,
            pltpu.SemaphoreType.DMA,
            pltpu.SemaphoreType.DMA,
            pltpu.SemaphoreType.DMA,
        ],
    )
    def _sc_combine(eout_hbm, pos0_hbm, pos1_hbm, g0_hbm, g1_hbm,
                    idx0_v, idx1_v, buf0_v, buf1_v, s0, s1, s2, s3):
        wid = lax.axis_index("s") * NC + lax.axis_index("c")
        base = wid * TW
        pltpu.sync_copy(pos0_hbm.at[pl.ds(base, TW)], idx0_v)
        pltpu.sync_copy(pos1_hbm.at[pl.ds(base, TW)], idx1_v)
        g0 = pltpu.async_copy(eout_hbm.at[idx0_v], buf0_v, s0)
        g1 = pltpu.async_copy(eout_hbm.at[idx1_v], buf1_v, s1)
        g0.wait()
        w0 = pltpu.async_copy(buf0_v, g0_hbm.at[pl.ds(base, TW)], s2)
        g1.wait()
        w1 = pltpu.async_copy(buf1_v, g1_hbm.at[pl.ds(base, TW)], s3)
        w0.wait()
        w1.wait()

    return _sc_dispatch, _sc_combine


def _sum3_kernel(xa_ref, g0_ref, g1_ref, out_ref):
    out_ref[...] = xa_ref[...] + g0_ref[...] + g1_ref[...]


def _stage_e(xa, g0, g1):
    return pl.pallas_call(
        _sum3_kernel,
        out_shape=jax.ShapeDtypeStruct((T, C), jnp.float32),
    )(xa, g0, g1)


@jax.jit
def _run(x, ln1_w, ln1_b, ln2_w, ln2_b, W_att, W_conf, W_diff, W_aff, W1, W2):
    x2 = x.reshape(T, C)
    xa, h0, h1, pos0, pos1, meta = _stage_a(
        x2, ln1_w, ln1_b, ln2_w, ln2_b, W_att, W_conf, W_diff, W_aff)
    pos0f = pos0.reshape(T)
    pos1f = pos1.reshape(T)
    sc_dispatch, sc_combine = _sc_kernels()
    h_sorted = sc_dispatch(h0, h1, pos0f, pos1f)
    eout = _stage_c(meta.reshape(2 * E), h_sorted, W1, W2)
    g0, g1 = sc_combine(eout, pos0f, pos1f)
    out = _stage_e(xa, g0, g1)
    return out.reshape(B, T, C)


def kernel(x, idx, ln1_w, ln1_b, ln2_w, ln2_b, W_att, W_conf, W_diff, W_aff,
           W1, W2):
    del idx
    return _run(x, ln1_w, ln1_b, ln2_w, ln2_b, W_att, W_conf, W_diff, W_aff,
                W1, W2)

# --- scband reference (transcript-rebuilt; emitter-appended) ---
"""Pipeline reference for scband-ca-mo-e-system-40072044871826 (READ-ONLY COPY).

The authoritative reference and input builder live on the scoring server;
editing this copy changes nothing except your own understanding.
"""

import jax, jax.numpy as jnp
import numpy as np

B, T, C = 1, 2048, 768
E = 8            # 6 RWKV experts + 2 transformer experts
DFF = 1536       # expert FFN hidden dim
VOCAB = 65536
TOPK = 2


def _ln(x, w, b):
    m = jnp.mean(x, axis=-1, keepdims=True)
    v = jnp.mean(jnp.square(x - m), axis=-1, keepdims=True)
    return (x - m) / jnp.sqrt(v + 1e-5) * w + b


def setup_inputs(seed: int = 0) -> dict:
    key = jax.random.key(seed)
    ks = jax.random.split(key, 10)
    s = 1.0 / np.sqrt(C)
    x = jax.random.normal(ks[0], (B, T, C), dtype=jnp.float32)
    idx = jax.random.randint(ks[1], (B, T), 0, VOCAB, dtype=jnp.int64)
    ln1_w = jnp.ones((C,), jnp.float32); ln1_b = jnp.zeros((C,), jnp.float32)
    ln2_w = jnp.ones((C,), jnp.float32); ln2_b = jnp.zeros((C,), jnp.float32)
    W_att = (jax.random.normal(ks[2], (C, C), jnp.float32) * s)
    W_conf = (jax.random.normal(ks[3], (E, C), jnp.float32) * s)
    W_diff = (jax.random.normal(ks[4], (C, 1), jnp.float32) * s)
    W_aff = (jax.random.normal(ks[5], (C, E), jnp.float32) * s)
    W1 = (jax.random.normal(ks[6], (E, C, DFF), jnp.float32) * s)
    W2 = (jax.random.normal(ks[7], (E, DFF, C), jnp.float32) * (1.0 / np.sqrt(DFF)))
    return {"x": x, "idx": idx, "ln1_w": ln1_w, "ln1_b": ln1_b,
            "ln2_w": ln2_w, "ln2_b": ln2_b, "W_att": W_att,
            "W_conf": W_conf, "W_diff": W_diff, "W_aff": W_aff,
            "W1": W1, "W2": W2}


def reference(x, idx, ln1_w, ln1_b, ln2_w, ln2_b, W_att, W_conf, W_diff, W_aff, W1, W2):
    # ---- attention stage (TimeMix stand-in: linear mix) ----
    x_ln = _ln(x, ln1_w, ln1_b)
    att_out = x_ln @ W_att
    x_after_att = x + att_out
    h = _ln(x_after_att, ln2_w, ln2_b)

    # ---- route stage (route_no_grad=True -> detached h) ----
    rh = jax.lax.stop_gradient(h)
    confidences = jax.nn.sigmoid(jnp.einsum('btc,ec->bte', rh, W_conf))   # per-expert confidence
    difficulty = jax.nn.sigmoid(rh @ W_diff)                              # [B,T,1] critic difficulty
    affinity = rh @ W_aff                                                  # [B,T,E]
    critic_subsidy = jax.nn.softmax(affinity, axis=-1)
    bids = confidences * difficulty + 0.1 * critic_subsidy
    top_vals, winners = jax.lax.top_k(bids, TOPK)                          # Top-2 market routing
    weights = jax.lax.stop_gradient(jax.nn.softmax(top_vals, axis=-1))    # detached mix weights

    # ---- expert stage: Top-2 mixture over E expert FFNs (relu^2 channel-mix) ----
    gate = jnp.sum(jax.nn.one_hot(winners, E, dtype=h.dtype) * weights[..., None], axis=-2)  # [B,T,E]
    hid = jnp.einsum('btc,ecf->btef', h, W1)
    hid = jnp.square(jax.nn.relu(hid))
    eout = jnp.einsum('btef,efc->btec', hid, W2)
    moe_out = jnp.einsum('btec,bte->btc', eout, gate)
    return x_after_att + moe_out

if __name__ == "__main__":
    import jax
    _d = setup_inputs()
    print(jax.jit(kernel)(*tuple(_d.values())))

</pallas_src>

<mosaic_0001>
#map = affine_map<(d0, d1) -> (0, 0)>
#map1 = affine_map<(d0, d1) -> (0)>
module attributes {stable_mosaic.version = 14 : i64} {
  func.func @_sc_dispatch(%arg0: i32, %arg1: i32, %arg2: memref<2048x768xf32, #tpu.memory_space<hbm>>, %arg3: memref<2048x768xf32, #tpu.memory_space<hbm>>, %arg4: memref<2048xi32, #tpu.memory_space<hbm>>, %arg5: memref<2048xi32, #tpu.memory_space<hbm>>, %arg6: memref<5888x768xf32, #tpu.memory_space<hbm>>, %arg7: memref<64xi32, #tpu.memory_space<vmem>>, %arg8: memref<64xi32, #tpu.memory_space<vmem>>, %arg9: memref<64x768xf32, #tpu.memory_space<vmem>>, %arg10: memref<64x768xf32, #tpu.memory_space<vmem>>, %arg11: memref<!tpu.dma_semaphore, #tpu.memory_space<semaphore_mem>>, %arg12: memref<!tpu.dma_semaphore, #tpu.memory_space<semaphore_mem>>, %arg13: memref<!tpu.dma_semaphore, #tpu.memory_space<semaphore_mem>>, %arg14: memref<!tpu.dma_semaphore, #tpu.memory_space<semaphore_mem>>) attributes {dimension_semantics = [#tpu.dimension_semantics<core_parallel>, #tpu.dimension_semantics<subcore_parallel>], iteration_bounds = array<i64: 2, 16>, scalar_prefetch = 0 : i64, scratch_operands = 8 : i64, tpu.core_type = #tpu.core_type<sc_vector_subcore>, window_params = [{transform_indices = #map}, {transform_indices = #map}, {transform_indices = #map1}, {transform_indices = #map1}, {transform_indices = #map}]} {
    %mul3A = arith.constant 2 : i32
    %mul3A_0 = arith.muli %arg1, %mul3A : i32
    %add3A = arith.addi %mul3A_0, %arg0 : i32
    %mul3A_1 = arith.constant 64 : i32
    %mul3A_2 = arith.muli %add3A, %mul3A_1 : i32
    "tpu.region"() ({
      %run_scoped3A = tpu.sem_alloc : memref<!tpu.dma_semaphore, #tpu.memory_space<semaphore_mem>>
      %dma_start3A_29 = tpu.memref_slice %arg4[%mul3A_2] : memref<2048xi32, #tpu.memory_space<hbm>> -> memref<64xi32, #tpu.memory_space<hbm>>
      %dma_start3A_30 = tpu.memref_slice %arg4[%mul3A_2] : memref<2048xi32, #tpu.memory_space<hbm>> -> memref<64xi32, #tpu.memory_space<hbm>>
      tpu.enqueue_dma source(%dma_start3A_30 : memref<64xi32, #tpu.memory_space<hbm>>) target(%arg7 : memref<64xi32, #tpu.memory_space<vmem>>) target_semaphore(%run_scoped3A : memref<!tpu.dma_semaphore, #tpu.memory_space<semaphore_mem>>)
      %dma_wait3A_31 = tpu.memref_slice %arg4[%mul3A_2] : memref<2048xi32, #tpu.memory_space<hbm>> -> memref<64xi32, #tpu.memory_space<hbm>>
      %dma_wait3A_32 = tpu.memref_slice %arg4[%mul3A_2] : memref<2048xi32, #tpu.memory_space<hbm>> -> memref<64xi32, #tpu.memory_space<hbm>>
      tpu.wait_dma2 semaphore(%run_scoped3A : memref<!tpu.dma_semaphore, #tpu.memory_space<semaphore_mem>>) src(%dma_wait3A_32 : memref<64xi32, #tpu.memory_space<hbm>>) dst(%arg7 : memref<64xi32, #tpu.memory_space<vmem>>)
      tpu.yield
    }) : () -> ()
    "tpu.region"() ({
      %run_scoped3A = tpu.sem_alloc : memref<!tpu.dma_semaphore, #tpu.memory_space<semaphore_mem>>
      %dma_start3A_29 = tpu.memref_slice %arg5[%mul3A_2] : memref<2048xi32, #tpu.memory_space<hbm>> -> memref<64xi32, #tpu.memory_space<hbm>>
      %dma_start3A_30 = tpu.memref_slice %arg5[%mul3A_2] : memref<2048xi32, #tpu.memory_space<hbm>> -> memref<64xi32, #tpu.memory_space<hbm>>
      tpu.enqueue_dma source(%dma_start3A_30 : memref<64xi32, #tpu.memory_space<hbm>>) target(%arg8 : memref<64xi32, #tpu.memory_space<vmem>>) target_semaphore(%run_scoped3A : memref<!tpu.dma_semaphore, #tpu.memory_space<semaphore_mem>>)
      %dma_wait3A_31 = tpu.memref_slice %arg5[%mul3A_2] : memref<2048xi32, #tpu.memory_space<hbm>> -> memref<64xi32, #tpu.memory_space<hbm>>
      %dma_wait3A_32 = tpu.memref_slice %arg5[%mul3A_2] : memref<2048xi32, #tpu.memory_space<hbm>> -> memref<64xi32, #tpu.memory_space<hbm>>
      tpu.wait_dma2 semaphore(%run_scoped3A : memref<!tpu.dma_semaphore, #tpu.memory_space<semaphore_mem>>) src(%dma_wait3A_32 : memref<64xi32, #tpu.memory_space<hbm>>) dst(%arg8 : memref<64xi32, #tpu.memory_space<vmem>>)
      tpu.yield
    }) : () -> ()
    %dma_start3A = arith.constant 0 : i32
    %dma_start3A_3 = tpu.memref_slice %arg2[%mul3A_2, %dma_start3A] : memref<2048x768xf32, #tpu.memory_space<hbm>> -> memref<64x768xf32, #tpu.memory_space<hbm>>
    %dma_start3A_4 = arith.constant 0 : i32
    %dma_start3A_5 = tpu.memref_slice %arg2[%mul3A_2, %dma_start3A_4] : memref<2048x768xf32, #tpu.memory_space<hbm>> -> memref<64x768xf32, #tpu.memory_space<hbm>>
    tpu.enqueue_dma source(%dma_start3A_5 : memref<64x768xf32, #tpu.memory_space<hbm>>) target(%arg9 : memref<64x768xf32, #tpu.memory_space<vmem>>) target_semaphore(%arg11 : memref<!tpu.dma_semaphore, #tpu.memory_space<semaphore_mem>>)
    %dma_start3A_6 = arith.constant 0 : i32
    %dma_start3A_7 = tpu.memref_slice %arg3[%mul3A_2, %dma_start3A_6] : memref<2048x768xf32, #tpu.memory_space<hbm>> -> memref<64x768xf32, #tpu.memory_space<hbm>>
    %dma_start3A_8 = arith.constant 0 : i32
    %dma_start3A_9 = tpu.memref_slice %arg3[%mul3A_2, %dma_start3A_8] : memref<2048x768xf32, #tpu.memory_space<hbm>> -> memref<64x768xf32, #tpu.memory_space<hbm>>
    tpu.enqueue_dma source(%dma_start3A_9 : memref<64x768xf32, #tpu.memory_space<hbm>>) target(%arg10 : memref<64x768xf32, #tpu.memory_space<vmem>>) target_semaphore(%arg12 : memref<!tpu.dma_semaphore, #tpu.memory_space<semaphore_mem>>)
    %dma_wait3A = arith.constant 0 : i32
    %dma_wait3A_10 = tpu.memref_slice %arg2[%mul3A_2, %dma_wait3A] : memref<2048x768xf32, #tpu.memory_space<hbm>> -> memref<64x768xf32, #tpu.memory_space<hbm>>
    %dma_wait3A_11 = arith.constant 0 : i32
    %dma_wait3A_12 = tpu.memref_slice %arg2[%mul3A_2, %dma_wait3A_11] : memref<2048x768xf32, #tpu.memory_space<hbm>> -> memref<64x768xf32, #tpu.memory_space<hbm>>
    tpu.wait_dma2 semaphore(%arg11 : memref<!tpu.dma_semaphore, #tpu.memory_space<semaphore_mem>>) src(%dma_wait3A_12 : memref<64x768xf32, #tpu.memory_space<hbm>>) dst(%arg9 : memref<64x768xf32, #tpu.memory_space<vmem>>)
    %dma_start3A_13 = arith.constant 0 : i32
    %dma_start3A_14 = arith.constant 0 : i32
    %dma_start3A_15 = tpu.memref_slice %arg6[%dma_start3A_13, %dma_start3A_14] : memref<5888x768xf32, #tpu.memory_space<hbm>> -> memref<5888x768xf32, #tpu.memory_space<hbm>>
    tpu.enqueue_indirect_dma source(%arg9 : memref<64x768xf32, #tpu.memory_space<vmem>>) target(%dma_start3A_15 : memref<5888x768xf32, #tpu.memory_space<hbm>>) offsets(%arg7 : memref<64xi32, #tpu.memory_space<vmem>>) semaphore(%arg13 : memref<!tpu.dma_semaphore, #tpu.memory_space<semaphore_mem>>)
    %dma_wait3A_16 = arith.constant 0 : i32
    %dma_wait3A_17 = tpu.memref_slice %arg3[%mul3A_2, %dma_wait3A_16] : memref<2048x768xf32, #tpu.memory_space<hbm>> -> memref<64x768xf32, #tpu.memory_space<hbm>>
    %dma_wait3A_18 = arith.constant 0 : i32
    %dma_wait3A_19 = tpu.memref_slice %arg3[%mul3A_2, %dma_wait3A_18] : memref<2048x768xf32, #tpu.memory_space<hbm>> -> memref<64x768xf32, #tpu.memory_space<hbm>>
    tpu.wait_dma2 semaphore(%arg12 : memref<!tpu.dma_semaphore, #tpu.memory_space<semaphore_mem>>) src(%dma_wait3A_19 : memref<64x768xf32, #tpu.memory_space<hbm>>) dst(%arg10 : memref<64x768xf32, #tpu.memory_space<vmem>>)
    %dma_start3A_20 = arith.constant 0 : i32
    %dma_start3A_21 = arith.constant 0 : i32
    %dma_start3A_22 = tpu.memref_slice %arg6[%dma_start3A_20, %dma_start3A_21] : memref<5888x768xf32, #tpu.memory_space<hbm>> -> memref<5888x768xf32, #tpu.memory_space<hbm>>
    tpu.enqueue_indirect_dma source(%arg10 : memref<64x768xf32, #tpu.memory_space<vmem>>) target(%dma_start3A_22 : memref<5888x768xf32, #tpu.memory_space<hbm>>) offsets(%arg8 : memref<64xi32, #tpu.memory_space<vmem>>) semaphore(%arg14 : memref<!tpu.dma_semaphore, #tpu.memory_space<semaphore_mem>>)
    %dma_wait3A_23 = arith.constant 0 : i32
    %dma_wait3A_24 = arith.constant 0 : i32
    %dma_wait3A_25 = tpu.memref_slice %arg6[%dma_wait3A_23, %dma_wait3A_24] : memref<5888x768xf32, #tpu.memory_space<hbm>> -> memref<5888x768xf32, #tpu.memory_space<hbm>>
    tpu.wait_indirect_dma semaphore(%arg13 : memref<!tpu.dma_semaphore, #tpu.memory_space<semaphore_mem>>) src(%arg9 : memref<64x768xf32, #tpu.memory_space<vmem>>) dst(%dma_wait3A_25 : memref<5888x768xf32, #tpu.memory_space<hbm>>)
    %dma_wait3A_26 = arith.constant 0 : i32
    %dma_wait3A_27 = arith.constant 0 : i32
    %dma_wait3A_28 = tpu.memref_slice %arg6[%dma_wait3A_26, %dma_wait3A_27] : memref<5888x768xf32, #tpu.memory_space<hbm>> -> memref<5888x768xf32, #tpu.memory_space<hbm>>
    tpu.wait_indirect_dma semaphore(%arg14 : memref<!tpu.dma_semaphore, #tpu.memory_space<semaphore_mem>>) src(%arg10 : memref<64x768xf32, #tpu.memory_space<vmem>>) dst(%dma_wait3A_28 : memref<5888x768xf32, #tpu.memory_space<hbm>>)
    return
  }
}

#map = affine_map<(d0, d1) -> (0, 0)>
#map1 = affine_map<(d0, d1) -> (0)>
module attributes {stable_mosaic.version = 14 : i64} {
  func.func @_sc_combine(%arg0: i32, %arg1: i32, %arg2: memref<5888x768xf32, #tpu.memory_space<hbm>>, %arg3: memref<2048xi32, #tpu.memory_space<hbm>>, %arg4: memref<2048xi32, #tpu.memory_space<hbm>>, %arg5: memref<2048x768xf32, #tpu.memory_space<hbm>>, %arg6: memref<2048x768xf32, #tpu.memory_space<hbm>>, %arg7: memref<64xi32, #tpu.memory_space<vmem>>, %arg8: memref<64xi32, #tpu.memory_space<vmem>>, %arg9: memref<64x768xf32, #tpu.memory_space<vmem>>, %arg10: memref<64x768xf32, #tpu.memory_space<vmem>>, %arg11: memref<!tpu.dma_semaphore, #tpu.memory_space<semaphore_mem>>, %arg12: memref<!tpu.dma_semaphore, #tpu.memory_space<semaphore_mem>>, %arg13: memref<!tpu.dma_semaphore, #tpu.memory_space<semaphore_mem>>, %arg14: memref<!tpu.dma_semaphore, #tpu.memory_space<semaphore_mem>>) attributes {dimension_semantics = [#tpu.dimension_semantics<core_parallel>, #tpu.dimension_semantics<subcore_parallel>], iteration_bounds = array<i64: 2, 16>, scalar_prefetch = 0 : i64, scratch_operands = 8 : i64, tpu.core_type = #tpu.core_type<sc_vector_subcore>, window_params = [{transform_indices = #map}, {transform_indices = #map1}, {transform_indices = #map1}, {transform_indices = #map}, {transform_indices = #map}]} {
    %mul3A = arith.constant 2 : i32
    %mul3A_0 = arith.muli %arg1, %mul3A : i32
    %add3A = arith.addi %mul3A_0, %arg0 : i32
    %mul3A_1 = arith.constant 64 : i32
    %mul3A_2 = arith.muli %add3A, %mul3A_1 : i32
    "tpu.region"() ({
      %run_scoped3A = tpu.sem_alloc : memref<!tpu.dma_semaphore, #tpu.memory_space<semaphore_mem>>
      %dma_start3A_29 = tpu.memref_slice %arg3[%mul3A_2] : memref<2048xi32, #tpu.memory_space<hbm>> -> memref<64xi32, #tpu.memory_space<hbm>>
      %dma_start3A_30 = tpu.memref_slice %arg3[%mul3A_2] : memref<2048xi32, #tpu.memory_space<hbm>> -> memref<64xi32, #tpu.memory_space<hbm>>
      tpu.enqueue_dma source(%dma_start3A_30 : memref<64xi32, #tpu.memory_space<hbm>>) target(%arg7 : memref<64xi32, #tpu.memory_space<vmem>>) target_semaphore(%run_scoped3A : memref<!tpu.dma_semaphore, #tpu.memory_space<semaphore_mem>>)
      %dma_wait3A_31 = tpu.memref_slice %arg3[%mul3A_2] : memref<2048xi32, #tpu.memory_space<hbm>> -> memref<64xi32, #tpu.memory_space<hbm>>
      %dma_wait3A_32 = tpu.memref_slice %arg3[%mul3A_2] : memref<2048xi32, #tpu.memory_space<hbm>> -> memref<64xi32, #tpu.memory_space<hbm>>
      tpu.wait_dma2 semaphore(%run_scoped3A : memref<!tpu.dma_semaphore, #tpu.memory_space<semaphore_mem>>) src(%dma_wait3A_32 : memref<64xi32, #tpu.memory_space<hbm>>) dst(%arg7 : memref<64xi32, #tpu.memory_space<vmem>>)
      tpu.yield
    }) : () -> ()
    "tpu.region"() ({
      %run_scoped3A = tpu.sem_alloc : memref<!tpu.dma_semaphore, #tpu.memory_space<semaphore_mem>>
      %dma_start3A_29 = tpu.memref_slice %arg4[%mul3A_2] : memref<2048xi32, #tpu.memory_space<hbm>> -> memref<64xi32, #tpu.memory_space<hbm>>
      %dma_start3A_30 = tpu.memref_slice %arg4[%mul3A_2] : memref<2048xi32, #tpu.memory_space<hbm>> -> memref<64xi32, #tpu.memory_space<hbm>>
      tpu.enqueue_dma source(%dma_start3A_30 : memref<64xi32, #tpu.memory_space<hbm>>) target(%arg8 : memref<64xi32, #tpu.memory_space<vmem>>) target_semaphore(%run_scoped3A : memref<!tpu.dma_semaphore, #tpu.memory_space<semaphore_mem>>)
      %dma_wait3A_31 = tpu.memref_slice %arg4[%mul3A_2] : memref<2048xi32, #tpu.memory_space<hbm>> -> memref<64xi32, #tpu.memory_space<hbm>>
      %dma_wait3A_32 = tpu.memref_slice %arg4[%mul3A_2] : memref<2048xi32, #tpu.memory_space<hbm>> -> memref<64xi32, #tpu.memory_space<hbm>>
      tpu.wait_dma2 semaphore(%run_scoped3A : memref<!tpu.dma_semaphore, #tpu.memory_space<semaphore_mem>>) src(%dma_wait3A_32 : memref<64xi32, #tpu.memory_space<hbm>>) dst(%arg8 : memref<64xi32, #tpu.memory_space<vmem>>)
      tpu.yield
    }) : () -> ()
    %dma_start3A = arith.constant 0 : i32
    %dma_start3A_3 = arith.constant 0 : i32
    %dma_start3A_4 = tpu.memref_slice %arg2[%dma_start3A, %dma_start3A_3] : memref<5888x768xf32, #tpu.memory_space<hbm>> -> memref<5888x768xf32, #tpu.memory_space<hbm>>
    tpu.enqueue_indirect_dma source(%dma_start3A_4 : memref<5888x768xf32, #tpu.memory_space<hbm>>) target(%arg9 : memref<64x768xf32, #tpu.memory_space<vmem>>) offsets(%arg7 : memref<64xi32, #tpu.memory_space<vmem>>) semaphore(%arg11 : memref<!tpu.dma_semaphore, #tpu.memory_space<semaphore_mem>>)
    %dma_start3A_5 = arith.constant 0 : i32
    %dma_start3A_6 = arith.constant 0 : i32
    %dma_start3A_7 = tpu.memref_slice %arg2[%dma_start3A_5, %dma_start3A_6] : memref<5888x768xf32, #tpu.memory_space<hbm>> -> memref<5888x768xf32, #tpu.memory_space<hbm>>
    tpu.enqueue_indirect_dma source(%dma_start3A_7 : memref<5888x768xf32, #tpu.memory_space<hbm>>) target(%arg10 : memref<64x768xf32, #tpu.memory_space<vmem>>) offsets(%arg8 : memref<64xi32, #tpu.memory_space<vmem>>) semaphore(%arg12 : memref<!tpu.dma_semaphore, #tpu.memory_space<semaphore_mem>>)
    %dma_wait3A = arith.constant 0 : i32
    %dma_wait3A_8 = arith.constant 0 : i32
    %dma_wait3A_9 = tpu.memref_slice %arg2[%dma_wait3A, %dma_wait3A_8] : memref<5888x768xf32, #tpu.memory_space<hbm>> -> memref<5888x768xf32, #tpu.memory_space<hbm>>
    tpu.wait_indirect_dma semaphore(%arg11 : memref<!tpu.dma_semaphore, #tpu.memory_space<semaphore_mem>>) src(%dma_wait3A_9 : memref<5888x768xf32, #tpu.memory_space<hbm>>) dst(%arg9 : memref<64x768xf32, #tpu.memory_space<vmem>>)
    %dma_start3A_10 = arith.constant 0 : i32
    %dma_start3A_11 = tpu.memref_slice %arg5[%mul3A_2, %dma_start3A_10] : memref<2048x768xf32, #tpu.memory_space<hbm>> -> memref<64x768xf32, #tpu.memory_space<hbm>>
    %dma_start3A_12 = arith.constant 0 : i32
    %dma_start3A_13 = tpu.memref_slice %arg5[%mul3A_2, %dma_start3A_12] : memref<2048x768xf32, #tpu.memory_space<hbm>> -> memref<64x768xf32, #tpu.memory_space<hbm>>
    tpu.enqueue_dma source(%arg9 : memref<64x768xf32, #tpu.memory_space<vmem>>) target(%dma_start3A_13 : memref<64x768xf32, #tpu.memory_space<hbm>>) target_semaphore(%arg13 : memref<!tpu.dma_semaphore, #tpu.memory_space<semaphore_mem>>)
    %dma_wait3A_14 = arith.constant 0 : i32
    %dma_wait3A_15 = arith.constant 0 : i32
    %dma_wait3A_16 = tpu.memref_slice %arg2[%dma_wait3A_14, %dma_wait3A_15] : memref<5888x768xf32, #tpu.memory_space<hbm>> -> memref<5888x768xf32, #tpu.memory_space<hbm>>
    tpu.wait_indirect_dma semaphore(%arg12 : memref<!tpu.dma_semaphore, #tpu.memory_space<semaphore_mem>>) src(%dma_wait3A_16 : memref<5888x768xf32, #tpu.memory_space<hbm>>) dst(%arg10 : memref<64x768xf32, #tpu.memory_space<vmem>>)
    %dma_start3A_17 = arith.constant 0 : i32
    %dma_start3A_18 = tpu.memref_slice %arg6[%mul3A_2, %dma_start3A_17] : memref<2048x768xf32, #tpu.memory_space<hbm>> -> memref<64x768xf32, #tpu.memory_space<hbm>>
    %dma_start3A_19 = arith.constant 0 : i32
    %dma_start3A_20 = tpu.memref_slice %arg6[%mul3A_2, %dma_start3A_19] : memref<2048x768xf32, #tpu.memory_space<hbm>> -> memref<64x768xf32, #tpu.memory_space<hbm>>
    tpu.enqueue_dma source(%arg10 : memref<64x768xf32, #tpu.memory_space<vmem>>) target(%dma_start3A_20 : memref<64x768xf32, #tpu.memory_space<hbm>>) target_semaphore(%arg14 : memref<!tpu.dma_semaphore, #tpu.memory_space<semaphore_mem>>)
    %dma_wait3A_21 = arith.constant 0 : i32
    %dma_wait3A_22 = tpu.memref_slice %arg5[%mul3A_2, %dma_wait3A_21] : memref<2048x768xf32, #tpu.memory_space<hbm>> -> memref<64x768xf32, #tpu.memory_space<hbm>>
    %dma_wait3A_23 = arith.constant 0 : i32
    %dma_wait3A_24 = tpu.memref_slice %arg5[%mul3A_2, %dma_wait3A_23] : memref<2048x768xf32, #tpu.memory_space<hbm>> -> memref<64x768xf32, #tpu.memory_space<hbm>>
    tpu.wait_dma2 semaphore(%arg13 : memref<!tpu.dma_semaphore, #tpu.memory_space<semaphore_mem>>) src(%arg9 : memref<64x768xf32, #tpu.memory_space<vmem>>) dst(%dma_wait3A_24 : memref<64x768xf32, #tpu.memory_space<hbm>>)
    %dma_wait3A_25 = arith.constant 0 : i32
    %dma_wait3A_26 = tpu.memref_slice %arg6[%mul3A_2, %dma_wait3A_25] : memref<2048x768xf32, #tpu.memory_space<hbm>> -> memref<64x768xf32, #tpu.memory_space<hbm>>
    %dma_wait3A_27 = arith.constant 0 : i32
    %dma_wait3A_28 = tpu.memref_slice %arg6[%mul3A_2, %dma_wait3A_27] : memref<2048x768xf32, #tpu.memory_space<hbm>> -> memref<64x768xf32, #tpu.memory_space<hbm>>
    tpu.wait_dma2 semaphore(%arg14 : memref<!tpu.dma_semaphore, #tpu.memory_space<semaphore_mem>>) src(%arg10 : memref<64x768xf32, #tpu.memory_space<vmem>>) dst(%dma_wait3A_28 : memref<64x768xf32, #tpu.memory_space<hbm>>)
    return
  }
}

module attributes {stable_mosaic.version = 14 : i64} {
  func.func @_gmm_kernel(%arg0: i32, %arg1: i32, %arg2: memref<16xi32, #tpu.memory_space<smem>>, %arg3: memref<5888x768xf32, #tpu.memory_space<vmem>>, %arg4: memref<1x768x768xf32, #tpu.memory_space<vmem>>, %arg5: memref<1x768x768xf32, #tpu.memory_space<vmem>>, %arg6: memref<5888x768xf32, #tpu.memory_space<vmem>>) attributes {dimension_semantics = [#tpu.dimension_semantics<arbitrary>, #tpu.dimension_semantics<arbitrary>], iteration_bounds = array<i64: 8, 2>, scalar_prefetch = 1 : i64, scratch_operands = 0 : i64, tpu.core_type = #tpu.core_type<tc>, window_params = [{pipeline_mode = #tpu.pipeline_mode<synchronous>, transform_indices = @transform_0, window_bounds = array<i64: 5888, 768>}, {transform_indices = @transform_1, window_bounds = array<i64: 1, 768, 768>}, {transform_indices = @transform_2, window_bounds = array<i64: 1, 768, 768>}, {pipeline_mode = #tpu.pipeline_mode<synchronous>, transform_indices = @transform_3, window_bounds = array<i64: 5888, 768>}]} {
    %get3A = arith.index_cast %arg0 : i32 to index
    %get3A_0 = memref.load %arg2[%get3A] : memref<16xi32, #tpu.memory_space<smem>>
    %add3A = arith.constant 8 : i32
    %add3A_1 = arith.addi %add3A, %arg0 : i32
    %get3A_2 = arith.index_cast %add3A_1 : i32 to index
    %get3A_3 = memref.load %arg2[%get3A_2] : memref<16xi32, #tpu.memory_space<smem>>
    %while3A = arith.constant 0 : i32
    %while3A_4 = arith.constant 0 : i32
    %while3A_5 = arith.subi %get3A_3, %while3A : i32
    %while3A_6 = arith.addi %while3A, %while3A_5 : i32
    %while3A_7 = arith.constant 1 : i32
    %while3A_8 = arith.divsi %while3A_5, %while3A_7 : i32
    %while3A_9 = arith.muli %while3A_8, %while3A_7 : i32
    %while3A_10 = arith.addi %while3A, %while3A_9 : i32
    %while3A_11 = arith.constant 1 : i32
    %while3A_12 = scf.for %while3A_15 = %while3A to %while3A_10 step %while3A_11 iter_args(%while3A_16 = %while3A_4) -> (i32)  : i32 {
      %add3A_17 = arith.addi %get3A_0, %while3A_15 : i32
      %mul3A = arith.constant 256 : i32
      %mul3A_18 = arith.muli %add3A_17, %mul3A : i32
      %get3A_19 = arith.index_cast %mul3A_18 : i32 to index
      %get3A_20 = arith.constant 0 : index
      %get3A_21 = vector.load %arg3[%get3A_19, %get3A_20] : memref<5888x768xf32, #tpu.memory_space<vmem>>, vector<256x768xf32>
      %get3A_22 = arith.constant 0 : index
      %get3A_23 = arith.constant 0 : index
      %get3A_24 = arith.constant 0 : index
      %get3A_25 = vector.load %arg4[%get3A_22, %get3A_23, %get3A_24] : memref<1x768x768xf32, #tpu.memory_space<vmem>>, vector<1x768x768xf32>
      %get3A_26 = vector.shape_cast %get3A_25 : vector<1x768x768xf32> to vector<768x768xf32>
      %dot_general3A = arith.constant dense<0.000000e+00> : vector<256x768xf32>
      %dot_general3A_27 = tpu.matmul %get3A_21, %get3A_26, %dot_general3A {dimension_numbers = #tpu.dot_dimension_numbers<[1], [0], [0], [1], [0, 0, 1, 1], [], []>, transpose_lhs_hint = false} : vector<256x768xf32>, vector<768x768xf32>, vector<256x768xf32> -> vector<256x768xf32>
      %max3A = arith.constant 0.000000e+00 : f32
      %max3A_28 = vector.broadcast %max3A : f32 to vector<256x768xf32>
      %max3A_29 = arith.maximumf %dot_general3A_27, %max3A_28 : vector<256x768xf32>
      %square3A = arith.mulf %max3A_29, %max3A_29 : vector<256x768xf32>
      %get3A_30 = arith.constant 0 : index
      %get3A_31 = arith.constant 0 : index
      %get3A_32 = arith.constant 0 : index
      %get3A_33 = vector.load %arg5[%get3A_30, %get3A_31, %get3A_32] : memref<1x768x768xf32, #tpu.memory_space<vmem>>, vector<1x768x768xf32>
      %get3A_34 = vector.shape_cast %get3A_33 : vector<1x768x768xf32> to vector<768x768xf32>
      %dot_general3A_35 = arith.constant dense<0.000000e+00> : vector<256x768xf32>
      %dot_general3A_36 = tpu.matmul %square3A, %get3A_34, %dot_general3A_35 {dimension_numbers = #tpu.dot_dimension_numbers<[1], [0], [0], [1], [0, 0, 1, 1], [], []>, transpose_lhs_hint = false} : vector<256x768xf32>, vector<768x768xf32>, vector<256x768xf32> -> vector<256x768xf32>
      %eq3A = arith.constant 0 : i32
      %eq3A_37 = arith.cmpi eq, %arg1, %eq3A : i32
      %convert_element_type3A = arith.extui %eq3A_37 : i1 to i32
      %cond3A = arith.constant 0 : i32
      %cond3A_38 = arith.cmpi ne, %convert_element_type3A, %cond3A : i32
      scf.if %cond3A_38 {
        %swap3A = arith.index_cast %mul3A_18 : i32 to index
        %swap3A_45 = arith.constant 0 : index
        %swap3A_46 = vector.load %arg6[%swap3A, %swap3A_45] : memref<5888x768xf32, #tpu.memory_space<vmem>>, vector<256x768xf32>
        tpu.vector_store %arg6[%swap3A, %swap3A_45], %dot_general3A_36 {strides = array<i32>} : memref<5888x768xf32, #tpu.memory_space<vmem>>, vector<256x768xf32>,
      } else {
      }
      %eq3A_39 = arith.constant 1 : i32
      %eq3A_40 = arith.cmpi eq, %arg1, %eq3A_39 : i32
      %convert_element_type3A_41 = arith.extui %eq3A_40 : i1 to i32
      %cond3A_42 = arith.constant 0 : i32
      %cond3A_43 = arith.cmpi ne, %convert_element_type3A_41, %cond3A_42 : i32
      scf.if %cond3A_43 {
        %get3A_45 = arith.index_cast %mul3A_18 : i32 to index
        %get3A_46 = arith.constant 0 : index
        %get3A_47 = vector.load %arg6[%get3A_45, %get3A_46] : memref<5888x768xf32, #tpu.memory_space<vmem>>, vector<256x768xf32>
        %add3A_48 = arith.addf %get3A_47, %dot_general3A_36 : vector<256x768xf32>
        %swap3A = arith.index_cast %mul3A_18 : i32 to index
        %swap3A_49 = arith.constant 0 : index
        %swap3A_50 = vector.load %arg6[%swap3A, %swap3A_49] : memref<5888x768xf32, #tpu.memory_space<vmem>>, vector<256x768xf32>
        tpu.vector_store %arg6[%swap3A, %swap3A_49], %add3A_48 {strides = array<i32>} : memref<5888x768xf32, #tpu.memory_space<vmem>>, vector<256x768xf32>,
      } else {
      }
      %while3A_44 = arith.constant 0 : i32
      scf.yield %while3A_44 : i32
    }
    %while3A_13 = arith.constant 1 : i32
    %while3A_14 = scf.for %while3A_15 = %while3A_10 to %while3A_6 step %while3A_13 iter_args(%while3A_16 = %while3A_12) -> (i32)  : i32 {
      %add3A_17 = arith.addi %get3A_0, %while3A_15 : i32
      %mul3A = arith.constant 256 : i32
      %mul3A_18 = arith.muli %add3A_17, %mul3A : i32
      %get3A_19 = arith.index_cast %mul3A_18 : i32 to index
      %get3A_20 = arith.constant 0 : index
      %get3A_21 = vector.load %arg3[%get3A_19, %get3A_20] : memref<5888x768xf32, #tpu.memory_space<vmem>>, vector<256x768xf32>
      %get3A_22 = arith.constant 0 : index
      %get3A_23 = arith.constant 0 : index
      %get3A_24 = arith.constant 0 : index
      %get3A_25 = vector.load %arg4[%get3A_22, %get3A_23, %get3A_24] : memref<1x768x768xf32, #tpu.memory_space<vmem>>, vector<1x768x768xf32>
      %get3A_26 = vector.shape_cast %get3A_25 : vector<1x768x768xf32> to vector<768x768xf32>
      %dot_general3A = arith.constant dense<0.000000e+00> : vector<256x768xf32>
      %dot_general3A_27 = tpu.matmul %get3A_21, %get3A_26, %dot_general3A {dimension_numbers = #tpu.dot_dimension_numbers<[1], [0], [0], [1], [0, 0, 1, 1], [], []>, transpose_lhs_hint = false} : vector<256x768xf32>, vector<768x768xf32>, vector<256x768xf32> -> vector<256x768xf32>
      %max3A = arith.constant 0.000000e+00 : f32
      %max3A_28 = vector.broadcast %max3A : f32 to vector<256x768xf32>
      %max3A_29 = arith.maximumf %dot_general3A_27, %max3A_28 : vector<256x768xf32>
      %square3A = arith.mulf %max3A_29, %max3A_29 : vector<256x768xf32>
      %get3A_30 = arith.constant 0 : index
      %get3A_31 = arith.constant 0 : index
      %get3A_32 = arith.constant 0 : index
      %get3A_33 = vector.load %arg5[%get3A_30, %get3A_31, %get3A_32] : memref<1x768x768xf32, #tpu.memory_space<vmem>>, vector<1x768x768xf32>
      %get3A_34 = vector.shape_cast %get3A_33 : vector<1x768x768xf32> to vector<768x768xf32>
      %dot_general3A_35 = arith.constant dense<0.000000e+00> : vector<256x768xf32>
      %dot_general3A_36 = tpu.matmul %square3A, %get3A_34, %dot_general3A_35 {dimension_numbers = #tpu.dot_dimension_numbers<[1], [0], [0], [1], [0, 0, 1, 1], [], []>, transpose_lhs_hint = false} : vector<256x768xf32>, vector<768x768xf32>, vector<256x768xf32> -> vector<256x768xf32>
      %eq3A = arith.constant 0 : i32
      %eq3A_37 = arith.cmpi eq, %arg1, %eq3A : i32
      %convert_element_type3A = arith.extui %eq3A_37 : i1 to i32
      %cond3A = arith.constant 0 : i32
      %cond3A_38 = arith.cmpi ne, %convert_element_type3A, %cond3A : i32
      scf.if %cond3A_38 {
        %swap3A = arith.index_cast %mul3A_18 : i32 to index
        %swap3A_45 = arith.constant 0 : index
        %swap3A_46 = vector.load %arg6[%swap3A, %swap3A_45] : memref<5888x768xf32, #tpu.memory_space<vmem>>, vector<256x768xf32>
        tpu.vector_store %arg6[%swap3A, %swap3A_45], %dot_general3A_36 {strides = array<i32>} : memref<5888x768xf32, #tpu.memory_space<vmem>>, vector<256x768xf32>,
      } else {
      }
      %eq3A_39 = arith.constant 1 : i32
      %eq3A_40 = arith.cmpi eq, %arg1, %eq3A_39 : i32
      %convert_element_type3A_41 = arith.extui %eq3A_40 : i1 to i32
      %cond3A_42 = arith.constant 0 : i32
      %cond3A_43 = arith.cmpi ne, %convert_element_type3A_41, %cond3A_42 : i32
      scf.if %cond3A_43 {
        %get3A_45 = arith.index_cast %mul3A_18 : i32 to index
        %get3A_46 = arith.constant 0 : index
        %get3A_47 = vector.load %arg6[%get3A_45, %get3A_46] : memref<5888x768xf32, #tpu.memory_space<vmem>>, vector<256x768xf32>
        %add3A_48 = arith.addf %get3A_47, %dot_general3A_36 : vector<256x768xf32>
        %swap3A = arith.index_cast %mul3A_18 : i32 to index
        %swap3A_49 = arith.constant 0 : index
        %swap3A_50 = vector.load %arg6[%swap3A, %swap3A_49] : memref<5888x768xf32, #tpu.memory_space<vmem>>, vector<256x768xf32>
        tpu.vector_store %arg6[%swap3A, %swap3A_49], %add3A_48 {strides = array<i32>} : memref<5888x768xf32, #tpu.memory_space<vmem>>, vector<256x768xf32>,
      } else {
      }
      %while3A_44 = arith.constant 0 : i32
      scf.yield %while3A_44 : i32
    }
    return
  }
  func.func @transform_0(%arg0: i32, %arg1: i32, %arg2: memref<16xi32, #tpu.memory_space<smem>>) -> (i32, i32) {
    %c0_i32 = arith.constant 0 : i32
    %c0_i32_0 = arith.constant 0 : i32
    %c0_i32_1 = arith.constant 0 : i32
    return %c0_i32, %c0_i32_0 : i32, i32
  }
  func.func @transform_1(%arg0: i32, %arg1: i32, %arg2: memref<16xi32, #tpu.memory_space<smem>>) -> (i32, i32, i32) {
    %c0_i32 = arith.constant 0 : i32
    %c0_i32_0 = arith.constant 0 : i32
    return %arg0, %c0_i32, %arg1 : i32, i32, i32
  }
  func.func @transform_2(%arg0: i32, %arg1: i32, %arg2: memref<16xi32, #tpu.memory_space<smem>>) -> (i32, i32, i32) {
    %c0_i32 = arith.constant 0 : i32
    %c0_i32_0 = arith.constant 0 : i32
    return %arg0, %arg1, %c0_i32 : i32, i32, i32
  }
  func.func @transform_3(%arg0: i32, %arg1: i32, %arg2: memref<16xi32, #tpu.memory_space<smem>>) -> (i32, i32) {
    %c0_i32 = arith.constant 0 : i32
    %c0_i32_0 = arith.constant 0 : i32
    %c0_i32_1 = arith.constant 0 : i32
    return %c0_i32, %c0_i32_0 : i32, i32
  }
}

module attributes {stable_mosaic.version = 14 : i64} {
  func.func @_route_kernel(%arg0: memref<2048x768xf32, #tpu.memory_space<vmem>>, %arg1: memref<1x768xf32, #tpu.memory_space<vmem>>, %arg2: memref<1x768xf32, #tpu.memory_space<vmem>>, %arg3: memref<1x768xf32, #tpu.memory_space<vmem>>, %arg4: memref<1x768xf32, #tpu.memory_space<vmem>>, %arg5: memref<768x768xf32, #tpu.memory_space<vmem>>, %arg6: memref<768x8xf32, #tpu.memory_space<vmem>>, %arg7: memref<768x1xf32, #tpu.memory_space<vmem>>, %arg8: memref<768x8xf32, #tpu.memory_space<vmem>>, %arg9: memref<2048x768xf32, #tpu.memory_space<vmem>>, %arg10: memref<2048x768xf32, #tpu.memory_space<vmem>>, %arg11: memref<2048x768xf32, #tpu.memory_space<vmem>>, %arg12: memref<2048x1xi32, #tpu.memory_space<vmem>>, %arg13: memref<2048x1xi32, #tpu.memory_space<vmem>>, %arg14: memref<1x16xi32, #tpu.memory_space<vmem>>) attributes {dimension_semantics = [], scalar_prefetch = 0 : i64, scratch_operands = 0 : i64, tpu.core_type = #tpu.core_type<tc>} {
    %get3A = arith.constant 0 : index
    %get3A_0 = arith.constant 0 : index
    %get3A_1 = vector.load %arg0[%get3A, %get3A_0] : memref<2048x768xf32, #tpu.memory_space<vmem>>, vector<2048x768xf32>
    %get3A_2 = arith.constant 0 : index
    %get3A_3 = arith.constant 0 : index
    %get3A_4 = vector.load %arg1[%get3A_2, %get3A_3] : memref<1x768xf32, #tpu.memory_space<vmem>>, vector<1x768xf32>
    %get3A_5 = arith.constant 0 : index
    %get3A_6 = arith.constant 0 : index
    %get3A_7 = vector.load %arg2[%get3A_5, %get3A_6] : memref<1x768xf32, #tpu.memory_space<vmem>>, vector<1x768xf32>
    %reduce_sum3A = arith.constant dense<0.000000e+00> : vector<2048xf32>
    %reduce_sum3A_8 = vector.multi_reduction <add>, %get3A_1, %reduce_sum3A [1] : vector<2048x768xf32> to vector<2048xf32>
    %broadcast_in_dim3A = vector.shape_cast %reduce_sum3A_8 : vector<2048xf32> to vector<2048x1xf32>
    %div3A = arith.constant 7.680000e+02 : f32
    %div3A_9 = vector.broadcast %div3A : f32 to vector<2048x1xf32>
    %div3A_10 = arith.divf %broadcast_in_dim3A, %div3A_9 : vector<2048x1xf32>
    %sub3A = vector.broadcast %div3A_10 : vector<2048x1xf32> to vector<2048x768xf32>
    %sub3A_11 = arith.subf %get3A_1, %sub3A : vector<2048x768xf32>
    %square3A = arith.mulf %sub3A_11, %sub3A_11 : vector<2048x768xf32>
    %reduce_sum3A_12 = arith.constant dense<0.000000e+00> : vector<2048xf32>
    %reduce_sum3A_13 = vector.multi_reduction <add>, %square3A, %reduce_sum3A_12 [1] : vector<2048x768xf32> to vector<2048xf32>
    %broadcast_in_dim3A_14 = vector.shape_cast %reduce_sum3A_13 : vector<2048xf32> to vector<2048x1xf32>
    %div3A_15 = arith.constant 7.680000e+02 : f32
    %div3A_16 = vector.broadcast %div3A_15 : f32 to vector<2048x1xf32>
    %div3A_17 = arith.divf %broadcast_in_dim3A_14, %div3A_16 : vector<2048x1xf32>
    %sub3A_18 = vector.broadcast %div3A_10 : vector<2048x1xf32> to vector<2048x768xf32>
    %sub3A_19 = arith.subf %get3A_1, %sub3A_18 : vector<2048x768xf32>
    %add3A = arith.constant 9.99999974E-6 : f32
    %add3A_20 = vector.broadcast %add3A : f32 to vector<2048x1xf32>
    %add3A_21 = arith.addf %div3A_17, %add3A_20 : vector<2048x1xf32>
    %sqrt3A = math.sqrt %add3A_21 : vector<2048x1xf32>
    %div3A_22 = vector.broadcast %sqrt3A : vector<2048x1xf32> to vector<2048x768xf32>
    %div3A_23 = arith.divf %sub3A_19, %div3A_22 : vector<2048x768xf32>
    %mul3A = vector.broadcast %get3A_4 : vector<1x768xf32> to vector<2048x768xf32>
    %mul3A_24 = arith.mulf %div3A_23, %mul3A : vector<2048x768xf32>
    %add3A_25 = vector.broadcast %get3A_7 : vector<1x768xf32> to vector<2048x768xf32>
    %add3A_26 = arith.addf %mul3A_24, %add3A_25 : vector<2048x768xf32>
    %get3A_27 = arith.constant 0 : index
    %get3A_28 = arith.constant 0 : index
    %get3A_29 = vector.load %arg5[%get3A_27, %get3A_28] : memref<768x768xf32, #tpu.memory_space<vmem>>, vector<768x768xf32>
    %dot_general3A = arith.constant dense<0.000000e+00> : vector<2048x768xf32>
    %dot_general3A_30 = tpu.matmul %add3A_26, %get3A_29, %dot_general3A {dimension_numbers = #tpu.dot_dimension_numbers<[1], [0], [0], [1], [0, 0, 1, 1], [], []>, transpose_lhs_hint = false} : vector<2048x768xf32>, vector<768x768xf32>, vector<2048x768xf32> -> vector<2048x768xf32>
    %add3A_31 = arith.addf %get3A_1, %dot_general3A_30 : vector<2048x768xf32>
    %swap3A = arith.constant 0 : index
    %swap3A_32 = arith.constant 0 : index
    %swap3A_33 = vector.load %arg9[%swap3A, %swap3A_32] : memref<2048x768xf32, #tpu.memory_space<vmem>>, vector<2048x768xf32>
    tpu.vector_store %arg9[%swap3A, %swap3A_32], %add3A_31 {strides = array<i32>} : memref<2048x768xf32, #tpu.memory_space<vmem>>, vector<2048x768xf32>,
    %get3A_34 = arith.constant 0 : index
    %get3A_35 = arith.constant 0 : index
    %get3A_36 = vector.load %arg3[%get3A_34, %get3A_35] : memref<1x768xf32, #tpu.memory_space<vmem>>, vector<1x768xf32>
    %get3A_37 = arith.constant 0 : index
    %get3A_38 = arith.constant 0 : index
    %get3A_39 = vector.load %arg4[%get3A_37, %get3A_38] : memref<1x768xf32, #tpu.memory_space<vmem>>, vector<1x768xf32>
    %reduce_sum3A_40 = arith.constant dense<0.000000e+00> : vector<2048xf32>
    %reduce_sum3A_41 = vector.multi_reduction <add>, %add3A_31, %reduce_sum3A_40 [1] : vector<2048x768xf32> to vector<2048xf32>
    %broadcast_in_dim3A_42 = vector.shape_cast %reduce_sum3A_41 : vector<2048xf32> to vector<2048x1xf32>
    %div3A_43 = arith.constant 7.680000e+02 : f32
    %div3A_44 = vector.broadcast %div3A_43 : f32 to vector<2048x1xf32>
    %div3A_45 = arith.divf %broadcast_in_dim3A_42, %div3A_44 : vector<2048x1xf32>
    %sub3A_46 = vector.broadcast %div3A_45 : vector<2048x1xf32> to vector<2048x768xf32>
    %sub3A_47 = arith.subf %add3A_31, %sub3A_46 : vector<2048x768xf32>
    %square3A_48 = arith.mulf %sub3A_47, %sub3A_47 : vector<2048x768xf32>
    %reduce_sum3A_49 = arith.constant dense<0.000000e+00> : vector<2048xf32>
    %reduce_sum3A_50 = vector.multi_reduction <add>, %square3A_48, %reduce_sum3A_49 [1] : vector<2048x768xf32> to vector<2048xf32>
    %broadcast_in_dim3A_51 = vector.shape_cast %reduce_sum3A_50 : vector<2048xf32> to vector<2048x1xf32>
    %div3A_52 = arith.constant 7.680000e+02 : f32
    %div3A_53 = vector.broadcast %div3A_52 : f32 to vector<2048x1xf32>
    %div3A_54 = arith.divf %broadcast_in_dim3A_51, %div3A_53 : vector<2048x1xf32>
    %sub3A_55 = vector.broadcast %div3A_45 : vector<2048x1xf32> to vector<2048x768xf32>
    %sub3A_56 = arith.subf %add3A_31, %sub3A_55 : vector<2048x768xf32>
    %add3A_57 = arith.constant 9.99999974E-6 : f32
    %add3A_58 = vector.broadcast %add3A_57 : f32 to vector<2048x1xf32>
    %add3A_59 = arith.addf %div3A_54, %add3A_58 : vector<2048x1xf32>
    %sqrt3A_60 = math.sqrt %add3A_59 : vector<2048x1xf32>
    %div3A_61 = vector.broadcast %sqrt3A_60 : vector<2048x1xf32> to vector<2048x768xf32>
    %div3A_62 = arith.divf %sub3A_56, %div3A_61 : vector<2048x768xf32>
    %mul3A_63 = vector.broadcast %get3A_36 : vector<1x768xf32> to vector<2048x768xf32>
    %mul3A_64 = arith.mulf %div3A_62, %mul3A_63 : vector<2048x768xf32>
    %add3A_65 = vector.broadcast %get3A_39 : vector<1x768xf32> to vector<2048x768xf32>
    %add3A_66 = arith.addf %mul3A_64, %add3A_65 : vector<2048x768xf32>
    %get3A_67 = arith.constant 0 : index
    %get3A_68 = arith.constant 0 : index
    %get3A_69 = vector.load %arg6[%get3A_67, %get3A_68] : memref<768x8xf32, #tpu.memory_space<vmem>>, vector<768x8xf32>
    %dot_general3A_70 = arith.constant dense<0.000000e+00> : vector<2048x8xf32>
    %dot_general3A_71 = tpu.matmul %add3A_66, %get3A_69, %dot_general3A_70 {dimension_numbers = #tpu.dot_dimension_numbers<[1], [0], [0], [1], [0, 0, 1, 1], [], []>, transpose_lhs_hint = false} : vector<2048x768xf32>, vector<768x8xf32>, vector<2048x8xf32> -> vector<2048x8xf32>
    %logistic3A = arith.negf %dot_general3A_71 : vector<2048x8xf32>
    %logistic3A_72 = math.exp %logistic3A : vector<2048x8xf32>
    %logistic3A_73 = arith.constant 1.000000e+00 : f32
    %logistic3A_74 = vector.broadcast %logistic3A_73 : f32 to vector<2048x8xf32>
    %logistic3A_75 = arith.addf %logistic3A_74, %logistic3A_72 : vector<2048x8xf32>
    %logistic3A_76 = arith.divf %logistic3A_74, %logistic3A_75 : vector<2048x8xf32>
    %get3A_77 = arith.constant 0 : index
    %get3A_78 = arith.constant 0 : index
    %get3A_79 = vector.load %arg7[%get3A_77, %get3A_78] : memref<768x1xf32, #tpu.memory_space<vmem>>, vector<768x1xf32>
    %dot_general3A_80 = arith.constant dense<0.000000e+00> : vector<2048x1xf32>
    %dot_general3A_81 = tpu.matmul %add3A_66, %get3A_79, %dot_general3A_80 {dimension_numbers = #tpu.dot_dimension_numbers<[1], [0], [0], [1], [0, 0, 1, 1], [], []>, transpose_lhs_hint = false} : vector<2048x768xf32>, vector<768x1xf32>, vector<2048x1xf32> -> vector<2048x1xf32>
    %logistic3A_82 = arith.negf %dot_general3A_81 : vector<2048x1xf32>
    %logistic3A_83 = math.exp %logistic3A_82 : vector<2048x1xf32>
    %logistic3A_84 = arith.constant 1.000000e+00 : f32
    %logistic3A_85 = vector.broadcast %logistic3A_84 : f32 to vector<2048x1xf32>
    %logistic3A_86 = arith.addf %logistic3A_85, %logistic3A_83 : vector<2048x1xf32>
    %logistic3A_87 = arith.divf %logistic3A_85, %logistic3A_86 : vector<2048x1xf32>
    %get3A_88 = arith.constant 0 : index
    %get3A_89 = arith.constant 0 : index
    %get3A_90 = vector.load %arg8[%get3A_88, %get3A_89] : memref<768x8xf32, #tpu.memory_space<vmem>>, vector<768x8xf32>
    %dot_general3A_91 = arith.constant dense<0.000000e+00> : vector<2048x8xf32>
    %dot_general3A_92 = tpu.matmul %add3A_66, %get3A_90, %dot_general3A_91 {dimension_numbers = #tpu.dot_dimension_numbers<[1], [0], [0], [1], [0, 0, 1, 1], [], []>, transpose_lhs_hint = false} : vector<2048x768xf32>, vector<768x8xf32>, vector<2048x8xf32> -> vector<2048x8xf32>
    %reduce_max3A = arith.constant dense<0xFF800000> : vector<2048xf32>
    %reduce_max3A_93 = vector.multi_reduction <maximumf>, %dot_general3A_92, %reduce_max3A [1] : vector<2048x8xf32> to vector<2048xf32>
    %broadcast_in_dim3A_94 = vector.shape_cast %reduce_max3A_93 : vector<2048xf32> to vector<2048x1xf32>
    %sub3A_95 = vector.broadcast %broadcast_in_dim3A_94 : vector<2048x1xf32> to vector<2048x8xf32>
    %sub3A_96 = arith.subf %dot_general3A_92, %sub3A_95 : vector<2048x8xf32>
    %exp3A = math.exp %sub3A_96 : vector<2048x8xf32>
    %reduce_sum3A_97 = arith.constant dense<0.000000e+00> : vector<2048xf32>
    %reduce_sum3A_98 = vector.multi_reduction <add>, %exp3A, %reduce_sum3A_97 [1] : vector<2048x8xf32> to vector<2048xf32>
    %broadcast_in_dim3A_99 = vector.shape_cast %reduce_sum3A_98 : vector<2048xf32> to vector<2048x1xf32>
    %div3A_100 = vector.broadcast %broadcast_in_dim3A_99 : vector<2048x1xf32> to vector<2048x8xf32>
    %div3A_101 = arith.divf %exp3A, %div3A_100 : vector<2048x8xf32>
    %mul3A_102 = vector.broadcast %logistic3A_87 : vector<2048x1xf32> to vector<2048x8xf32>
    %mul3A_103 = arith.mulf %logistic3A_76, %mul3A_102 : vector<2048x8xf32>
    %mul3A_104 = arith.constant 1.000000e-01 : f32
    %mul3A_105 = vector.broadcast %mul3A_104 : f32 to vector<2048x8xf32>
    %mul3A_106 = arith.mulf %mul3A_105, %div3A_101 : vector<2048x8xf32>
    %add3A_107 = arith.addf %mul3A_103, %mul3A_106 : vector<2048x8xf32>
    %iota3A = tpu.iota {dimensions = array<i32: 1>} : vector<2048x8xi32>
    %reduce_max3A_108 = arith.constant dense<0xFF800000> : vector<2048xf32>
    %reduce_max3A_109 = vector.multi_reduction <maximumf>, %add3A_107, %reduce_max3A_108 [1] : vector<2048x8xf32> to vector<2048xf32>
    %broadcast_in_dim3A_110 = vector.shape_cast %reduce_max3A_109 : vector<2048xf32> to vector<2048x1xf32>
    %ge3A = vector.broadcast %broadcast_in_dim3A_110 : vector<2048x1xf32> to vector<2048x8xf32>
    %ge3A_111 = arith.cmpf oge, %add3A_107, %ge3A : vector<2048x8xf32>
    %jit3A = arith.constant 8 : i32
    %broadcast_in_dim3A_112 = vector.broadcast %jit3A : i32 to vector<2048x8xi32>
    %select_n3A = arith.select %ge3A_111, %iota3A, %broadcast_in_dim3A_112 : vector<2048x8xi1>, vector<2048x8xi32>
    %reduce_min3A = arith.constant dense<2147483647> : vector<2048xi32>
    %reduce_min3A_113 = vector.multi_reduction <minsi>, %select_n3A, %reduce_min3A [1] : vector<2048x8xi32> to vector<2048xi32>
    %broadcast_in_dim3A_114 = vector.shape_cast %reduce_min3A_113 : vector<2048xi32> to vector<2048x1xi32>
    %eq3A = vector.broadcast %broadcast_in_dim3A_114 : vector<2048x1xi32> to vector<2048x8xi32>
    %eq3A_115 = arith.cmpi eq, %iota3A, %eq3A : vector<2048x8xi32>
    %jit3A_116 = arith.constant 0xFF800000 : f32
    %broadcast_in_dim3A_117 = vector.broadcast %jit3A_116 : f32 to vector<2048x8xf32>
    %select_n3A_118 = arith.select %eq3A_115, %broadcast_in_dim3A_117, %add3A_107 : vector<2048x8xi1>, vector<2048x8xf32>
    %reduce_max3A_119 = arith.constant dense<0xFF800000> : vector<2048xf32>
    %reduce_max3A_120 = vector.multi_reduction <maximumf>, %select_n3A_118, %reduce_max3A_119 [1] : vector<2048x8xf32> to vector<2048xf32>
    %broadcast_in_dim3A_121 = vector.shape_cast %reduce_max3A_120 : vector<2048xf32> to vector<2048x1xf32>
    %ge3A_122 = vector.broadcast %broadcast_in_dim3A_121 : vector<2048x1xf32> to vector<2048x8xf32>
    %ge3A_123 = arith.cmpf oge, %select_n3A_118, %ge3A_122 : vector<2048x8xf32>
    %jit3A_124 = arith.constant 8 : i32
    %broadcast_in_dim3A_125 = vector.broadcast %jit3A_124 : i32 to vector<2048x8xi32>
    %select_n3A_126 = arith.select %ge3A_123, %iota3A, %broadcast_in_dim3A_125 : vector<2048x8xi1>, vector<2048x8xi32>
    %reduce_min3A_127 = arith.constant dense<2147483647> : vector<2048xi32>
    %reduce_min3A_128 = vector.multi_reduction <minsi>, %select_n3A_126, %reduce_min3A_127 [1] : vector<2048x8xi32> to vector<2048xi32>
    %broadcast_in_dim3A_129 = vector.shape_cast %reduce_min3A_128 : vector<2048xi32> to vector<2048x1xi32>
    %eq3A_130 = vector.broadcast %broadcast_in_dim3A_129 : vector<2048x1xi32> to vector<2048x8xi32>
    %eq3A_131 = arith.cmpi eq, %iota3A, %eq3A_130 : vector<2048x8xi32>
    %sub3A_132 = arith.subf %broadcast_in_dim3A_121, %broadcast_in_dim3A_110 : vector<2048x1xf32>
    %exp3A_133 = math.exp %sub3A_132 : vector<2048x1xf32>
    %add3A_134 = arith.constant 1.000000e+00 : f32
    %add3A_135 = vector.broadcast %add3A_134 : f32 to vector<2048x1xf32>
    %add3A_136 = arith.addf %add3A_135, %exp3A_133 : vector<2048x1xf32>
    %div3A_137 = arith.constant 1.000000e+00 : f32
    %div3A_138 = vector.broadcast %div3A_137 : f32 to vector<2048x1xf32>
    %div3A_139 = arith.divf %div3A_138, %add3A_136 : vector<2048x1xf32>
    %add3A_140 = arith.constant 1.000000e+00 : f32
    %add3A_141 = vector.broadcast %add3A_140 : f32 to vector<2048x1xf32>
    %add3A_142 = arith.addf %add3A_141, %exp3A_133 : vector<2048x1xf32>
    %div3A_143 = arith.divf %exp3A_133, %add3A_142 : vector<2048x1xf32>
    %sqrt3A_144 = math.sqrt %div3A_139 : vector<2048x1xf32>
    %mul3A_145 = vector.broadcast %sqrt3A_144 : vector<2048x1xf32> to vector<2048x768xf32>
    %mul3A_146 = arith.mulf %add3A_66, %mul3A_145 : vector<2048x768xf32>
    %swap3A_147 = arith.constant 0 : index
    %swap3A_148 = arith.constant 0 : index
    %swap3A_149 = vector.load %arg10[%swap3A_147, %swap3A_148] : memref<2048x768xf32, #tpu.memory_space<vmem>>, vector<2048x768xf32>
    tpu.vector_store %arg10[%swap3A_147, %swap3A_148], %mul3A_146 {strides = array<i32>} : memref<2048x768xf32, #tpu.memory_space<vmem>>, vector<2048x768xf32>,
    %sqrt3A_150 = math.sqrt %div3A_143 : vector<2048x1xf32>
    %mul3A_151 = vector.broadcast %sqrt3A_150 : vector<2048x1xf32> to vector<2048x768xf32>
    %mul3A_152 = arith.mulf %add3A_66, %mul3A_151 : vector<2048x768xf32>
    %swap3A_153 = arith.constant 0 : index
    %swap3A_154 = arith.constant 0 : index
    %swap3A_155 = vector.load %arg11[%swap3A_153, %swap3A_154] : memref<2048x768xf32, #tpu.memory_space<vmem>>, vector<2048x768xf32>
    tpu.vector_store %arg11[%swap3A_153, %swap3A_154], %mul3A_152 {strides = array<i32>} : memref<2048x768xf32, #tpu.memory_space<vmem>>, vector<2048x768xf32>,
    %or3A = arith.ori %eq3A_115, %eq3A_131 : vector<2048x8xi1>
    %jit3A_156 = arith.constant 1.000000e+00 : f32
    %jit3A_157 = arith.constant 0.000000e+00 : f32
    %broadcast_in_dim3A_158 = vector.broadcast %jit3A_156 : f32 to vector<2048x8xf32>
    %broadcast_in_dim3A_159 = vector.broadcast %jit3A_157 : f32 to vector<2048x8xf32>
    %select_n3A_160 = arith.select %or3A, %broadcast_in_dim3A_158, %broadcast_in_dim3A_159 : vector<2048x8xi1>, vector<2048x8xf32>
    %iota3A_161 = tpu.iota {dimensions = array<i32: 0>} : vector<256x256xi32>
    %iota3A_162 = tpu.iota {dimensions = array<i32: 1>} : vector<256x256xi32>
    %gt3A = arith.cmpi sgt, %iota3A_161, %iota3A_162 : vector<256x256xi32>
    %jit3A_163 = arith.constant 1.000000e+00 : f32
    %jit3A_164 = arith.constant 0.000000e+00 : f32
    %broadcast_in_dim3A_165 = vector.broadcast %jit3A_163 : f32 to vector<256x256xf32>
    %broadcast_in_dim3A_166 = vector.broadcast %jit3A_164 : f32 to vector<256x256xf32>
    %select_n3A_167 = arith.select %gt3A, %broadcast_in_dim3A_165, %broadcast_in_dim3A_166 : vector<256x256xi1>, vector<256x256xf32>
    %broadcast_in_dim3A_168 = arith.constant 0.000000e+00 : f32
    %broadcast_in_dim3A_169 = vector.broadcast %broadcast_in_dim3A_168 : f32 to vector<1x8xf32>
    %slice3A = vector.extract_strided_slice %select_n3A_160 {offsets = [0, 0], sizes = [256, 8], strides = [1, 1]} : vector<2048x8xf32> to vector<256x8xf32>
    %dot_general3A_170 = arith.constant dense<0.000000e+00> : vector<256x8xf32>
    %dot_general3A_171 = tpu.matmul %select_n3A_167, %slice3A, %dot_general3A_170 {dimension_numbers = #tpu.dot_dimension_numbers<[1], [0], [0], [1], [0, 0, 1, 1], [], []>, transpose_lhs_hint = false} : vector<256x256xf32>, vector<256x8xf32>, vector<256x8xf32> -> vector<256x8xf32>
    %add3A_172 = vector.broadcast %broadcast_in_dim3A_169 : vector<1x8xf32> to vector<256x8xf32>
    %add3A_173 = arith.addf %dot_general3A_171, %add3A_172 : vector<256x8xf32>
    %reduce_sum3A_174 = arith.constant dense<0.000000e+00> : vector<8xf32>
    %reduce_sum3A_175 = vector.multi_reduction <add>, %slice3A, %reduce_sum3A_174 [0] : vector<256x8xf32> to vector<8xf32>
    %broadcast_in_dim3A_176 = vector.shape_cast %reduce_sum3A_175 : vector<8xf32> to vector<1x8xf32>
    %add3A_177 = arith.addf %broadcast_in_dim3A_169, %broadcast_in_dim3A_176 : vector<1x8xf32>
    %slice3A_178 = vector.extract_strided_slice %select_n3A_160 {offsets = [256, 0], sizes = [256, 8], strides = [1, 1]} : vector<2048x8xf32> to vector<256x8xf32>
    %dot_general3A_179 = arith.constant dense<0.000000e+00> : vector<256x8xf32>
    %dot_general3A_180 = tpu.matmul %select_n3A_167, %slice3A_178, %dot_general3A_179 {dimension_numbers = #tpu.dot_dimension_numbers<[1], [0], [0], [1], [0, 0, 1, 1], [], []>, transpose_lhs_hint = false} : vector<256x256xf32>, vector<256x8xf32>, vector<256x8xf32> -> vector<256x8xf32>
    %add3A_181 = vector.broadcast %add3A_177 : vector<1x8xf32> to vector<256x8xf32>
    %add3A_182 = arith.addf %dot_general3A_180, %add3A_181 : vector<256x8xf32>
    %reduce_sum3A_183 = arith.constant dense<0.000000e+00> : vector<8xf32>
    %reduce_sum3A_184 = vector.multi_reduction <add>, %slice3A_178, %reduce_sum3A_183 [0] : vector<256x8xf32> to vector<8xf32>
    %broadcast_in_dim3A_185 = vector.shape_cast %reduce_sum3A_184 : vector<8xf32> to vector<1x8xf32>
    %add3A_186 = arith.addf %add3A_177, %broadcast_in_dim3A_185 : vector<1x8xf32>
    %slice3A_187 = vector.extract_strided_slice %select_n3A_160 {offsets = [512, 0], sizes = [256, 8], strides = [1, 1]} : vector<2048x8xf32> to vector<256x8xf32>
    %dot_general3A_188 = arith.constant dense<0.000000e+00> : vector<256x8xf32>
    %dot_general3A_189 = tpu.matmul %select_n3A_167, %slice3A_187, %dot_general3A_188 {dimension_numbers = #tpu.dot_dimension_numbers<[1], [0], [0], [1], [0, 0, 1, 1], [], []>, transpose_lhs_hint = false} : vector<256x256xf32>, vector<256x8xf32>, vector<256x8xf32> -> vector<256x8xf32>
    %add3A_190 = vector.broadcast %add3A_186 : vector<1x8xf32> to vector<256x8xf32>
    %add3A_191 = arith.addf %dot_general3A_189, %add3A_190 : vector<256x8xf32>
    %reduce_sum3A_192 = arith.constant dense<0.000000e+00> : vector<8xf32>
    %reduce_sum3A_193 = vector.multi_reduction <add>, %slice3A_187, %reduce_sum3A_192 [0] : vector<256x8xf32> to vector<8xf32>
    %broadcast_in_dim3A_194 = vector.shape_cast %reduce_sum3A_193 : vector<8xf32> to vector<1x8xf32>
    %add3A_195 = arith.addf %add3A_186, %broadcast_in_dim3A_194 : vector<1x8xf32>
    %slice3A_196 = vector.extract_strided_slice %select_n3A_160 {offsets = [768, 0], sizes = [256, 8], strides = [1, 1]} : vector<2048x8xf32> to vector<256x8xf32>
    %dot_general3A_197 = arith.constant dense<0.000000e+00> : vector<256x8xf32>
    %dot_general3A_198 = tpu.matmul %select_n3A_167, %slice3A_196, %dot_general3A_197 {dimension_numbers = #tpu.dot_dimension_numbers<[1], [0], [0], [1], [0, 0, 1, 1], [], []>, transpose_lhs_hint = false} : vector<256x256xf32>, vector<256x8xf32>, vector<256x8xf32> -> vector<256x8xf32>
    %add3A_199 = vector.broadcast %add3A_195 : vector<1x8xf32> to vector<256x8xf32>
    %add3A_200 = arith.addf %dot_general3A_198, %add3A_199 : vector<256x8xf32>
    %reduce_sum3A_201 = arith.constant dense<0.000000e+00> : vector<8xf32>
    %reduce_sum3A_202 = vector.multi_reduction <add>, %slice3A_196, %reduce_sum3A_201 [0] : vector<256x8xf32> to vector<8xf32>
    %broadcast_in_dim3A_203 = vector.shape_cast %reduce_sum3A_202 : vector<8xf32> to vector<1x8xf32>
    %add3A_204 = arith.addf %add3A_195, %broadcast_in_dim3A_203 : vector<1x8xf32>
    %slice3A_205 = vector.extract_strided_slice %select_n3A_160 {offsets = [1024, 0], sizes = [256, 8], strides = [1, 1]} : vector<2048x8xf32> to vector<256x8xf32>
    %dot_general3A_206 = arith.constant dense<0.000000e+00> : vector<256x8xf32>
    %dot_general3A_207 = tpu.matmul %select_n3A_167, %slice3A_205, %dot_general3A_206 {dimension_numbers = #tpu.dot_dimension_numbers<[1], [0], [0], [1], [0, 0, 1, 1], [], []>, transpose_lhs_hint = false} : vector<256x256xf32>, vector<256x8xf32>, vector<256x8xf32> -> vector<256x8xf32>
    %add3A_208 = vector.broadcast %add3A_204 : vector<1x8xf32> to vector<256x8xf32>
    %add3A_209 = arith.addf %dot_general3A_207, %add3A_208 : vector<256x8xf32>
    %reduce_sum3A_210 = arith.constant dense<0.000000e+00> : vector<8xf32>
    %reduce_sum3A_211 = vector.multi_reduction <add>, %slice3A_205, %reduce_sum3A_210 [0] : vector<256x8xf32> to vector<8xf32>
    %broadcast_in_dim3A_212 = vector.shape_cast %reduce_sum3A_211 : vector<8xf32> to vector<1x8xf32>
    %add3A_213 = arith.addf %add3A_204, %broadcast_in_dim3A_212 : vector<1x8xf32>
    %slice3A_214 = vector.extract_strided_slice %select_n3A_160 {offsets = [1280, 0], sizes = [256, 8], strides = [1, 1]} : vector<2048x8xf32> to vector<256x8xf32>
    %dot_general3A_215 = arith.constant dense<0.000000e+00> : vector<256x8xf32>
    %dot_general3A_216 = tpu.matmul %select_n3A_167, %slice3A_214, %dot_general3A_215 {dimension_numbers = #tpu.dot_dimension_numbers<[1], [0], [0], [1], [0, 0, 1, 1], [], []>, transpose_lhs_hint = false} : vector<256x256xf32>, vector<256x8xf32>, vector<256x8xf32> -> vector<256x8xf32>
    %add3A_217 = vector.broadcast %add3A_213 : vector<1x8xf32> to vector<256x8xf32>
    %add3A_218 = arith.addf %dot_general3A_216, %add3A_217 : vector<256x8xf32>
    %reduce_sum3A_219 = arith.constant dense<0.000000e+00> : vector<8xf32>
    %reduce_sum3A_220 = vector.multi_reduction <add>, %slice3A_214, %reduce_sum3A_219 [0] : vector<256x8xf32> to vector<8xf32>
    %broadcast_in_dim3A_221 = vector.shape_cast %reduce_sum3A_220 : vector<8xf32> to vector<1x8xf32>
    %add3A_222 = arith.addf %add3A_213, %broadcast_in_dim3A_221 : vector<1x8xf32>
    %slice3A_223 = vector.extract_strided_slice %select_n3A_160 {offsets = [1536, 0], sizes = [256, 8], strides = [1, 1]} : vector<2048x8xf32> to vector<256x8xf32>
    %dot_general3A_224 = arith.constant dense<0.000000e+00> : vector<256x8xf32>
    %dot_general3A_225 = tpu.matmul %select_n3A_167, %slice3A_223, %dot_general3A_224 {dimension_numbers = #tpu.dot_dimension_numbers<[1], [0], [0], [1], [0, 0, 1, 1], [], []>, transpose_lhs_hint = false} : vector<256x256xf32>, vector<256x8xf32>, vector<256x8xf32> -> vector<256x8xf32>
    %add3A_226 = vector.broadcast %add3A_222 : vector<1x8xf32> to vector<256x8xf32>
    %add3A_227 = arith.addf %dot_general3A_225, %add3A_226 : vector<256x8xf32>
    %reduce_sum3A_228 = arith.constant dense<0.000000e+00> : vector<8xf32>
    %reduce_sum3A_229 = vector.multi_reduction <add>, %slice3A_223, %reduce_sum3A_228 [0] : vector<256x8xf32> to vector<8xf32>
    %broadcast_in_dim3A_230 = vector.shape_cast %reduce_sum3A_229 : vector<8xf32> to vector<1x8xf32>
    %add3A_231 = arith.addf %add3A_222, %broadcast_in_dim3A_230 : vector<1x8xf32>
    %slice3A_232 = vector.extract_strided_slice %select_n3A_160 {offsets = [1792, 0], sizes = [256, 8], strides = [1, 1]} : vector<2048x8xf32> to vector<256x8xf32>
    %dot_general3A_233 = arith.constant dense<0.000000e+00> : vector<256x8xf32>
    %dot_general3A_234 = tpu.matmul %select_n3A_167, %slice3A_232, %dot_general3A_233 {dimension_numbers = #tpu.dot_dimension_numbers<[1], [0], [0], [1], [0, 0, 1, 1], [], []>, transpose_lhs_hint = false} : vector<256x256xf32>, vector<256x8xf32>, vector<256x8xf32> -> vector<256x8xf32>
    %add3A_235 = vector.broadcast %add3A_231 : vector<1x8xf32> to vector<256x8xf32>
    %add3A_236 = arith.addf %dot_general3A_234, %add3A_235 : vector<256x8xf32>
    %reduce_sum3A_237 = arith.constant dense<0.000000e+00> : vector<8xf32>
    %reduce_sum3A_238 = vector.multi_reduction <add>, %slice3A_232, %reduce_sum3A_237 [0] : vector<256x8xf32> to vector<8xf32>
    %broadcast_in_dim3A_239 = vector.shape_cast %reduce_sum3A_238 : vector<8xf32> to vector<1x8xf32>
    %add3A_240 = arith.addf %add3A_231, %broadcast_in_dim3A_239 : vector<1x8xf32>
    %concatenate3A = tpu.concatenate %add3A_173, %add3A_182, %add3A_191, %add3A_200, %add3A_209, %add3A_218, %add3A_227, %add3A_236 in 0 : vector<256x8xf32>, vector<256x8xf32>, vector<256x8xf32>, vector<256x8xf32>, vector<256x8xf32>, vector<256x8xf32>, vector<256x8xf32>, vector<256x8xf32> -> vector<2048x8xf32>
    %add3A_241 = arith.constant 2.550000e+02 : f32
    %add3A_242 = vector.broadcast %add3A_241 : f32 to vector<1x8xf32>
    %add3A_243 = arith.addf %add3A_240, %add3A_242 : vector<1x8xf32>
    %mul3A_244 = arith.constant 3.906250e-03 : f32
    %mul3A_245 = vector.broadcast %mul3A_244 : f32 to vector<1x8xf32>
    %mul3A_246 = arith.mulf %add3A_243, %mul3A_245 : vector<1x8xf32>
    %floor3A = math.floor %mul3A_246 : vector<1x8xf32>
    %iota3A_247 = tpu.iota {dimensions = array<i32: 0>} : vector<8x8xi32>
    %iota3A_248 = tpu.iota {dimensions = array<i32: 1>} : vector<8x8xi32>
    %lt3A = arith.cmpi slt, %iota3A_247, %iota3A_248 : vector<8x8xi32>
    %jit3A_249 = arith.constant 1.000000e+00 : f32
    %jit3A_250 = arith.constant 0.000000e+00 : f32
    %broadcast_in_dim3A_251 = vector.broadcast %jit3A_249 : f32 to vector<8x8xf32>
    %broadcast_in_dim3A_252 = vector.broadcast %jit3A_250 : f32 to vector<8x8xf32>
    %select_n3A_253 = arith.select %lt3A, %broadcast_in_dim3A_251, %broadcast_in_dim3A_252 : vector<8x8xi1>, vector<8x8xf32>
    %broadcast_in_dim3A_254 = vector.shape_cast %floor3A : vector<1x8xf32> to vector<1x8xf32>
    %broadcast_in_dim3A_255 = vector.broadcast %broadcast_in_dim3A_254 : vector<1x8xf32> to vector<8x8xf32>
    %dot_general3A_256 = arith.constant dense<0.000000e+00> : vector<8x8xf32>
    %dot_general3A_257 = tpu.matmul %broadcast_in_dim3A_255, %select_n3A_253, %dot_general3A_256 {dimension_numbers = #tpu.dot_dimension_numbers<[1], [0], [0], [1], [0, 0, 1, 1], [], []>, transpose_lhs_hint = false} : vector<8x8xf32>, vector<8x8xf32>, vector<8x8xf32> -> vector<8x8xf32>
    %slice3A_258 = vector.extract_strided_slice %dot_general3A_257 {offsets = [0, 0], sizes = [1, 8], strides = [1, 1]} : vector<8x8xf32> to vector<1x8xf32>
    %mul3A_259 = arith.constant 2.560000e+02 : f32
    %mul3A_260 = vector.broadcast %mul3A_259 : f32 to vector<1x8xf32>
    %mul3A_261 = arith.mulf %slice3A_258, %mul3A_260 : vector<1x8xf32>
    %add3A_262 = vector.broadcast %mul3A_261 : vector<1x8xf32> to vector<2048x8xf32>
    %add3A_263 = arith.addf %add3A_262, %concatenate3A : vector<2048x8xf32>
    %jit3A_264 = arith.constant 0.000000e+00 : f32
    %broadcast_in_dim3A_265 = vector.broadcast %jit3A_264 : f32 to vector<2048x8xf32>
    %select_n3A_266 = arith.select %eq3A_115, %add3A_263, %broadcast_in_dim3A_265 : vector<2048x8xi1>, vector<2048x8xf32>
    %reduce_sum3A_267 = arith.constant dense<0.000000e+00> : vector<2048xf32>
    %reduce_sum3A_268 = vector.multi_reduction <add>, %select_n3A_266, %reduce_sum3A_267 [1] : vector<2048x8xf32> to vector<2048xf32>
    %broadcast_in_dim3A_269 = vector.shape_cast %reduce_sum3A_268 : vector<2048xf32> to vector<2048x1xf32>
    %jit3A_270 = arith.constant 0.000000e+00 : f32
    %broadcast_in_dim3A_271 = vector.broadcast %jit3A_270 : f32 to vector<2048x8xf32>
    %select_n3A_272 = arith.select %eq3A_131, %add3A_263, %broadcast_in_dim3A_271 : vector<2048x8xi1>, vector<2048x8xf32>
    %reduce_sum3A_273 = arith.constant dense<0.000000e+00> : vector<2048xf32>
    %reduce_sum3A_274 = vector.multi_reduction <add>, %select_n3A_272, %reduce_sum3A_273 [1] : vector<2048x8xf32> to vector<2048xf32>
    %broadcast_in_dim3A_275 = vector.shape_cast %reduce_sum3A_274 : vector<2048xf32> to vector<2048x1xf32>
    %convert_element_type3A = arith.fptosi %broadcast_in_dim3A_269 : vector<2048x1xf32> to vector<2048x1xi32>
    %swap3A_276 = arith.constant 0 : index
    %swap3A_277 = arith.constant 0 : index
    %swap3A_278 = vector.load %arg12[%swap3A_276, %swap3A_277] : memref<2048x1xi32, #tpu.memory_space<vmem>>, vector<2048x1xi32>
    tpu.vector_store %arg12[%swap3A_276, %swap3A_277], %convert_element_type3A {strides = array<i32>} : memref<2048x1xi32, #tpu.memory_space<vmem>>, vector<2048x1xi32>,
    %convert_element_type3A_279 = arith.fptosi %broadcast_in_dim3A_275 : vector<2048x1xf32> to vector<2048x1xi32>
    %swap3A_280 = arith.constant 0 : index
    %swap3A_281 = arith.constant 0 : index
    %swap3A_282 = vector.load %arg13[%swap3A_280, %swap3A_281] : memref<2048x1xi32, #tpu.memory_space<vmem>>, vector<2048x1xi32>
    tpu.vector_store %arg13[%swap3A_280, %swap3A_281], %convert_element_type3A_279 {strides = array<i32>} : memref<2048x1xi32, #tpu.memory_space<vmem>>, vector<2048x1xi32>,
    %concatenate3A_283 = tpu.concatenate %slice3A_258, %floor3A in 1 : vector<1x8xf32>, vector<1x8xf32> -> vector<1x16xf32>
    %convert_element_type3A_284 = arith.fptosi %concatenate3A_283 : vector<1x16xf32> to vector<1x16xi32>
    %swap3A_285 = arith.constant 0 : index
    %swap3A_286 = arith.constant 0 : index
    %swap3A_287 = vector.load %arg14[%swap3A_285, %swap3A_286] : memref<1x16xi32, #tpu.memory_space<vmem>>, vector<1x16xi32>
    tpu.vector_store %arg14[%swap3A_285, %swap3A_286], %convert_element_type3A_284 {strides = array<i32>} : memref<1x16xi32, #tpu.memory_space<vmem>>, vector<1x16xi32>,
    return
  }
}

module attributes {stable_mosaic.version = 14 : i64} {
  func.func @_sum3_kernel(%arg0: memref<2048x768xf32, #tpu.memory_space<vmem>>, %arg1: memref<2048x768xf32, #tpu.memory_space<vmem>>, %arg2: memref<2048x768xf32, #tpu.memory_space<vmem>>, %arg3: memref<2048x768xf32, #tpu.memory_space<vmem>>) attributes {dimension_semantics = [], scalar_prefetch = 0 : i64, scratch_operands = 0 : i64, tpu.core_type = #tpu.core_type<tc>} {
    %get3A = arith.constant 0 : index
    %get3A_0 = arith.constant 0 : index
    %get3A_1 = vector.load %arg0[%get3A, %get3A_0] : memref<2048x768xf32, #tpu.memory_space<vmem>>, vector<2048x768xf32>
    %get3A_2 = arith.constant 0 : index
    %get3A_3 = arith.constant 0 : index
    %get3A_4 = vector.load %arg1[%get3A_2, %get3A_3] : memref<2048x768xf32, #tpu.memory_space<vmem>>, vector<2048x768xf32>
    %add3A = arith.addf %get3A_1, %get3A_4 : vector<2048x768xf32>
    %get3A_5 = arith.constant 0 : index
    %get3A_6 = arith.constant 0 : index
    %get3A_7 = vector.load %arg2[%get3A_5, %get3A_6] : memref<2048x768xf32, #tpu.memory_space<vmem>>, vector<2048x768xf32>
    %add3A_8 = arith.addf %add3A, %get3A_7 : vector<2048x768xf32>
    %swap3A = arith.constant 0 : index
    %swap3A_9 = arith.constant 0 : index
    %swap3A_10 = vector.load %arg3[%swap3A, %swap3A_9] : memref<2048x768xf32, #tpu.memory_space<vmem>>, vector<2048x768xf32>
    tpu.vector_store %arg3[%swap3A, %swap3A_9], %add3A_8 {strides = array<i32>} : memref<2048x768xf32, #tpu.memory_space<vmem>>, vector<2048x768xf32>,
    return
  }
}

</mosaic_0001>

<sc_bundles>
// kernel: _run.10.cloned.1.call-start
scs
__scs_entry_jumppad:
0x0: {  	(pc) =	sbr.rel $0x88, $3  }
0x1: {  	(tag) =	ssettag $0x0;
	lr =	simm.s32 $0x1  }
0x2: {  	[smem:$0x3F96] =	sst lr;
	_ =	strace $0xD0000000  }
0x3: {  	_ = 	snop  }
0x4: {  	_ = 	snop  }
0x5: {  	_ = 	snop  }
0x6: {  	_ = 	snop  }
0x7: {  	_ = 	snop  }
__scs_overlays_trampoline_lowered:
0x8: {  	[smem:$0x3FA5] =	sst s0  }
0x9: {  	[smem:$0x3FA6] =	sst s1  }
0xa: {  	[smem:$0x3FA7] =	sst s2  }
0xb: {  	[smem:$0x3FA8] =	sst s3  }
0xc: {  	[smem:$0x3FA9] =	sst s4  }
0xd: {  	[smem:$0x3FAA] =	sst s5  }
0xe: {  	[smem:$0x3FAB] =	sst s6  }
0xf: {  	[smem:$0x3FAC] =	sst s7  }
0x10: {  	[smem:$0x3FAD] =	sst s8  }
0x11: {  	[smem:$0x3FAE] =	sst s9;
	s0 =	simm.s32 @!p0 $0x0  }
0x12: {  	s1 =	sld [smem:$0x3F94];
	s0 =	simm.s32 @p0 $0x1  }
0x13: {  	[smem:$0x3FAF] =	sst s0;
	s0 =	simm.s32 @!p1 $0x0  }
0x14: {  	s2 =	sld [smem:$0x3F93];
	s0 =	simm.s32 @p1 $0x1  }
0x15: {  	[smem:$0x3FB0] =	sst s0;
	s0 =	simm.s32 @!p2 $0x0  }
0x16: {  	s3 =	sld [smem:$0x3FDB];
	s0 =	simm.s32 @p2 $0x1  }
0x17: {  	s4 =	simm.s32 $0x1BF5;
	[smem:$0x3FB2] =	sst s0  }
0x18: {  	s0 =	sld [smem:$0x3F95];
	_ =	swait.ge [sflag:s4], $0x0  }
0x19: {  	s7 =	sld [smem:$0x3F96]  }
0x1a: {  	s8 =	sadd.s32 $0xFFFFE003, lr  }
0x1b: {  	s9 =	sadd.s32 $0xFFFFFEF7, lr;
	s5 =	simm.s32 $0xFFFFFFFF;
	p2 =	slt.u32 s8, $0xFFFFF086  }
0x1c: {  	p1 =	slt.u32 s9, $0xF7A;
	s5 =	simm.s32 @!p2 $0x0  }
0x1d: {  	s5 =	simm.s32 @p1 $0x1;
	p0 =	seq.s32 s7, s2  }
0x1e: {  	s7 =	smul.u32 @!p0 $0xF7A, s2;
	p2 =	seq.s32 @!p0 s5, $0x0  }
0x1f: {  	s9 =	smul.u32 $0xF7A, s1;
	s8 =	simm.s32 @!p0 $0x1BF5;
	p2 =	por !p2, p0  }
0x20: {  	[sflag:s8] =	ssyncset.s32 @!p0 $0xFFFFF086;
	s6 =	sadd.s32 @!p0 s3, s7;
	s7 =	simm.s32 @!p0 $0x108  }
0x21: {  	s3 =	sadd.s32 s3, s9;
	s6 =	sadd.s32 @!p0 $0x88, s6;
	s7 =	simm.s32 @p2 $0x1082  }
0x22: {  	[simem:s7], [sflag:s8] =	dma.local @!p0 [hbm:s6], $0xF7A  }
0x23: {  	s9 =	sor.u32 $0xD0000000, s2;
	s6 =	simm.s32 $0x108;
	_ =	swait.ge @!p0 [sflag:s8], $0x0  }
0x24: {  	s3 =	sadd.s32 $0x88, s3;
	s6 =	simm.s32 @!p1 $0x1082;
	[sflag:s4] =	ssyncset.s32 $0xFFFFF086  }
0x25: {  	[simem:s6], [sflag:s4] =	dma.local [hbm:s3], $0xF7A  }
0x26: {  	[smem:$0x3F96] =	sst s1;
	(tag) =	ssettag s2;
	_ =	strace s9  }
0x27: {  	s1 =	sld [smem:$0x3FA6]  }
0x28: {  	s2 =	sld [smem:$0x3FA7]  }
0x29: {  	s4 =	sld [smem:$0x3FA9]  }
0x2a: {  	p0 =	seq.s32 s5, $0x0;
	s5 =	sld [smem:$0x3FAA]  }
0x2b: {  	s6 =	sld [smem:$0x3FAB]  }
0x2c: {  	s7 =	sld [smem:$0x3FAC]  }
0x2d: {  	s3 =	simm.s32 $0x108;
	s8 =	sld [smem:$0x3FAD]  }
0x2e: {  	s3 =	simm.s32 @!p0 $0x1082;
	s9 =	sld [smem:$0x3FAE]  }
0x2f: {  	lr =	sadd.s32 s0, s3;
	s0 =	sld [smem:$0x3FA5]  }
0x30: {  	s3 =	sld [smem:$0x3FA8]  }
0x31: {  	[smem:$0x3FB1] =	sst s10  }
0x32: {  	s10 =	sld [smem:$0x3FAF];
	_ =	sdelay $0x3  }
0x33: {  	p0 =	seq.s32 s10, $0x1;
	s10 =	sld [smem:$0x3FB1];
	_ =	sdelay $0x3  }
0x34: {  	[smem:$0x3FB1] =	sst s10  }
0x35: {  	s10 =	sld [smem:$0x3FB0];
	_ =	sdelay $0x3  }
0x36: {  	p1 =	seq.s32 s10, $0x1;
	s10 =	sld [smem:$0x3FB1];
	_ =	sdelay $0x3  }
0x37: {  	[smem:$0x3FB1] =	sst s10  }
0x38: {  	s10 =	sld [smem:$0x3FB2]  }
0x39: {  	_ = 	snop;
	(pc) =	sbr.ind lr, $3  }
0x3a: {  	_ = 	snop  }
0x3b: {  	_ = 	snop  }
0x3c: {  	p2 =	seq.s32 s10, $0x1;
	s10 =	sld [smem:$0x3FB1]  }
0x3d: {  	_ =	shalt  }
0x3e: {  	_ =	shalt  }
0x3f: {  	_ =	shalt  }
0x40: {  	_ =	shalt  }
0x41: {  	_ =	shalt  }
0x42: {  	_ =	shalt  }
0x43: {  	_ =	shalt  }
0x44: {  	_ =	shalt  }
0x45: {  	_ =	shalt  }
0x46: {  	_ =	shalt  }
0x47: {  	_ =	shalt  }
0x48: {  	_ =	shalt  }
0x49: {  	_ =	shalt  }
0x4a: {  	_ =	shalt  }
0x4b: {  	_ =	shalt  }
0x4c: {  	_ =	shalt  }
0x4d: {  	_ =	shalt  }
0x4e: {  	_ =	shalt  }
0x4f: {  	_ =	shalt  }
0x50: {  	_ =	shalt  }
0x51: {  	_ =	shalt  }
0x52: {  	_ =	shalt  }
0x53: {  	_ =	shalt  }
0x54: {  	_ =	shalt  }
0x55: {  	_ =	shalt  }
0x56: {  	_ =	shalt  }
0x57: {  	_ =	shalt  }
0x58: {  	_ =	shalt  }
0x59: {  	_ =	shalt  }
0x5a: {  	_ =	shalt  }
0x5b: {  	_ =	shalt  }
0x5c: {  	_ =	shalt  }
0x5d: {  	_ =	shalt  }
0x5e: {  	_ =	shalt  }
0x5f: {  	_ =	shalt  }
0x60: {  	_ =	shalt  }
0x61: {  	_ =	shalt  }
0x62: {  	_ =	shalt  }
0x63: {  	_ =	shalt  }
0x64: {  	_ =	shalt  }
0x65: {  	_ =	shalt  }
0x66: {  	_ =	shalt  }
0x67: {  	_ =	shalt  }
0x68: {  	_ =	shalt  }
0x69: {  	_ =	shalt  }
0x6a: {  	_ =	shalt  }
0x6b: {  	_ =	shalt  }
0x6c: {  	_ =	shalt  }
0x6d: {  	_ =	shalt  }
0x6e: {  	_ =	shalt  }
0x6f: {  	_ =	shalt  }
0x70: {  	_ =	shalt  }
0x71: {  	_ =	shalt  }
0x72: {  	_ =	shalt  }
0x73: {  	_ =	shalt  }
0x74: {  	_ =	shalt  }
0x75: {  	_ =	shalt  }
0x76: {  	_ =	shalt  }
0x77: {  	_ =	shalt  }
0x78: {  	_ =	shalt  }
0x79: {  	_ =	shalt  }
0x7a: {  	_ =	shalt  }
0x7b: {  	_ =	shalt  }
0x7c: {  	_ =	shalt  }
0x7d: {  	_ =	shalt  }
0x7e: {  	_ =	shalt  }
0x7f: {  	_ =	shalt  }
0x80: {  	_ =	shalt  }
0x81: {  	_ =	shalt  }
0x82: {  	_ =	shalt  }
0x83: {  	_ =	shalt  }
0x84: {  	_ =	shalt  }
0x85: {  	_ =	shalt  }
0x86: {  	_ =	shalt  }
0x87: {  	_ =	shalt  }
.Lfunc_end0:
.L_simem_size_0:
called_computation.1_lowered:
.L_overlay_start_0:
0x88: {  	s2 =	sld [smem:$0x3FD9]  }
0x89: {  	s3 =	sld [smem:$0x3FFE];
	_ =	sdelay $0x1  }
0x8a: {  	s1 =	srdreg.scid  }
0x8b: {  	s0 =	sand.u32 $0x1, s1  }
0x8c: {  	s17 =	sshll.u32 s0, $0xA;
	s2 =	sadd.s32 s3, s2  }
0x8d: {  	s2 =	sadd.s32 s2, s17  }
0x8e: {  	[smem:$0x3FBD] =	sst s2  }
0x8f: {  	_ = 	snop  }
0x90: {  	s2 =	sld [smem:$0x3FD0];
	(tm) =	ssettm $0x1  }
0x91: {  	s18 =	sld [smem:$0x3FFB];
	_ =	sdelay $0x3  }
0x92: {  	_ =	strace s18  }
0x93: {  	s3 =	sld [smem:$0x3FFC];
	_ =	sdelay $0x3  }
0x94: {  	_ =	strace s3  }
0x95: {  	s3 =	sld [smem:$0x3FFD];
	_ =	sdelay $0x3  }
0x96: {  	_ =	strace s3  }
0x97: {  	_ =	strace $0x8FFFFFFF  }
0x98: {  	s19 =	sld [smem:$0x3FDB];
	_ =	sdelay $0x1  }
0x99: {  	s4 =	simm.s32 $_scs_section_size  }
0x9a: {  	s5 =	simm.s32 $_size__tile_overlayer_lowered;
	s6 =	simm.s32 $_tile_overlayer_lowered  }
0x9b: {  	s22 =	simm.s32 $0x1BFF;
	s21 =	sshll.u32 s6, $0x1;
	s3 =	sadd.s32 s4, s19  }
0x9c: {  	s7 =	simm.s32 $0x0;
	s20 =	sshll.u32 s5, $0x1;
	s5 =	sadd.s32 s21, s3  }
0x9d: {  	[timem:s7], [sflag:s22] =	dma.local [hbm:s5], s20  }
0x9e: {  	_ =	swait.ge [sflag:s22], s20  }
0x9f: {  	s4 =	ssub.s32 $0x0, s20;
	[sflag:s22] =	ssyncset.done $0x0  }
0xa0: {  	[sflag:s22] =	ssyncadd.s32 s4;
	_ =	sdelay $0x1  }
0xa1: {  	s23 =	simm.s32 $0x1B8B  }
0xa2: {  	_ =	swait.ge [sflag:s23], $0x1  }
0xa3: {  	[sflag:s23] =	ssyncset.done $0x0  }
0xa4: {  	s25 =	simm.s32 $0x1B8E;
	s24 =	sld [smem:$0x3FFE];
	[sflag:s23] =	ssyncadd.s32 $0xFFFFFFFF  }
0xa5: {  	s26 =	simm.s32 $execute0_lowered;
	[smem:$0x3FD2] =	sst s25  }
0xa6: {  	s5 =	sshll.u32 s26, $0x1;
	_ =	strace $0x80000049;
	[dreg:$0x1] =	wrdreg $0xFFFFFFFF  }
0xa7: {  	s28 =	simm.s32 $_size_execute0_lowered;
	s3 =	sadd.s32 s3, s5;
	[dreg:$0x0] =	wrdreg $0x0  }
0xa8: {  	s5 =	sshll.u32 s28, $0x1;
	[dreg:$0x2] =	wrdreg s3  }
0xa9: {  	[dreg:$0x3] =	wrdreg s5  }
0xaa: {  	[dreg:$0x4] =	wrdreg $0xC0  }
0xab: {  	_ =	task [dreg:s7], $0x5FFFF  }
0xac: {  	[dreg:$0x1] =	wrdreg $0xFFFFFFFF  }
0xad: {  	[dreg:$0x0] =	wrdreg $0x60  }
0xae: {  	[dreg:$0x2] =	wrdreg s24  }
0xaf: {  	[dreg:$0x3] =	wrdreg s2  }
0xb0: {  	[dreg:$0x4] =	wrdreg $0x9  }
0xb1: {  	_ =	task.clear_ibuf [dreg:s7], $0x5FFFF;
	_ =	strace $0x90000049  }
0xb2: {  	s29 =	simm.s32 $0x9;
	_ =	strace $0x8000004B  }
0xb3: {  	_ =	swait.ge [sflag:s29], $0x1  }
0xb4: {  	[sflag:s29] =	ssyncadd.s32 $0xFFFFFFFF  }
0xb5: {  	_ =	strace $0x9000004B  }
0xb6: {  	_ =	sfence  }
0xb7: {  	s30 =	sld [smem:$0x0];
	_ =	sdelay $0x2  }
0xb8: {  	s31 =	sshll.u32 s1, $0xD;
	s1 =	sshrl.u32 s1, $0x2  }
0xb9: {  	s3 =	sand.u32 $0x4000, s31;
	s1 =	sadd.s32 s1, s30  }
0xba: {  	s0 =	sor.u32 s3, s0;
	s1 =	sshll.u32 s1, $0x11  }
0xbb: {  	s0 =	sor.u32 s1, s0  }
0xbc: {  	s0 =	sadd.s32 $0x8F2B, s0  }
0xbd: {  	[sflag:s0] =	ssyncadd.remote.s32 $0x1  }
0xbe: {  	_ =	sfence.sel $0xFFFF  }
0xbf: {  	[dreg:$0x0] =	wrdreg $0xFFFFFFFF;
	(pc) =	sbr.abs _section_cstart, $3  }
0xc0: {  	[dreg:$0x1] =	wrdreg $0xFFFFFFFF  }
0xc1: {  	_ =	task.clear_ibuf [dreg:s7], $0x2FFFF;
	_ =	strace $0x9FFFFFFF  }
0xc2: {  	(tm) =	ssettm $0x7FFFFFFF  }
0xc3: {  	_ =	shalt  }
tec
execute0_lowered:
.L_overlay_start_1:
0x0: {  	(tag) =	ssettag $0x1  }
0x1: {  	s2 =	srdreg.scid;
	s1 =	rddreg [dreg:$0x0]  }
0x2: {  	s3 =	rddreg [dreg:$0x1];
	s4 =	sand.u32 $0x1, s2;
	s2 =	simm.s32 $0x0  }
0x3: {  	s20 =	simm.s32 $0x80;
	[smem:$0x7FF] =	sst s2  }
0x4: {  	s21 =	simm.s32 $0x900;
	_ =	strace $0x8000004A;
	[dreg:$0x7] =	wrdreg s20  }
0x5: {  	s22 =	simm.s32 $0x1100;
	[dreg:$0x8] =	wrdreg s21  }
0x6: {  	s23 =	simm.s32 $0x1900;
	[dreg:$0x9] =	wrdreg s22  }
0x7: {  	s24 =	simm.s32 $0x2100;
	[dreg:$0xa] =	wrdreg s23  }
0x8: {  	s25 =	simm.s32 $0x2900;
	[dreg:$0xb] =	wrdreg s24  }
0x9: {  	s0 =	stileid.u32;
	s26 =	simm.s32 $0x3100;
	[dreg:$0xc] =	wrdreg s25  }
0xa: {  	s5 =	sshll.u32 s0, $0x4;
	s0 =	simm.s32 $0x3900;
	[dreg:$0xd] =	wrdreg s26  }
0xb: {  	s8 =	simm.s32 $0x5900;
	[dreg:$0xe] =	wrdreg s0  }
0xc: {  	s9 =	simm.s32 $0x6100;
	[dreg:$0x12] =	wrdreg s8  }
0xd: {  	s10 =	simm.s32 $0x6900;
	[dreg:$0x13] =	wrdreg s9  }
0xe: {  	s11 =	simm.s32 $0x7100;
	s12 =	simm.s32 $0x7900;
	[dreg:$0x14] =	wrdreg s10  }
0xf: {  	s13 =	simm.s32 $0x8100;
	s14 =	simm.s32 $0x8900;
	[dreg:$0x15] =	wrdreg s11  }
0x10: {  	s15 =	simm.s32 $0x9100;
	s16 =	simm.s32 $0x9900;
	[dreg:$0x16] =	wrdreg s12  }
0x11: {  	s17 =	simm.s32 $0xA100;
	s28 =	simm.s32 $0x17900;
	[dreg:$0x17] =	wrdreg s13  }
0x12: {  	s29 =	simm.s32 $0x1;
	s30 =	simm.s32 $0x2;
	[dreg:$0x18] =	wrdreg s14  }
0x13: {  	s31 =	simm.s32 $0x3;
	s6 =	sshll.u32 s4, $0x3;
	[dreg:$0x19] =	wrdreg s15  }
0x14: {  	s4 =	ssub.s32 $0x2, s4;
	s5 =	sor.u32 s6, s5;
	[dreg:$0x1a] =	wrdreg s16  }
0x15: {  	[dreg:$0x1b] =	wrdreg s17;
	s20 =	simm.s32 $0xB100;
	s21 =	simm.s32 $0xB900  }
0x16: {  	s22 =	simm.s32 $0xC900;
	s23 =	simm.s32 $0xD100;
	s24 =	simm.s32 $0xD900  }
0x17: {  	s25 =	simm.s32 $0xE100;
	s8 =	simm.s32 $0x100;
	[dreg:$0x1d] =	wrdreg s20  }
0x18: {  	s26 =	simm.s32 $0xE900;
	s9 =	simm.s32 $0xC100;
	[dreg:$0x1e] =	wrdreg s21  }
0x19: {  	s11 =	simm.s32 $0xF900;
	s12 =	simm.s32 $0x10100;
	[dreg:$0x1f] =	wrdreg s22  }
0x1a: {  	s13 =	simm.s32 $0x10900;
	s14 =	simm.s32 $0x11100;
	[smem:$0x7FA] =	sst s23  }
0x1b: {  	s15 =	simm.s32 $0x11900;
	s16 =	simm.s32 $0x12100;
	[smem:$0x7FB] =	sst s24  }
0x1c: {  	s17 =	simm.s32 $0x12900;
	s6 =	sadd.s32 s5, s1;
	[smem:$0x7FC] =	sst s25  }
0x1d: {  	s5 =	smul.u32 $0x300, s5;
	[smem:$0x7FD] =	sst s26;
	s20 =	simm.s32 $0x14100  }
0x1e: {  	s21 =	simm.s32 $0x14900;
	s22 =	simm.s32 $0x15100;
	s7 =	sadd.s32 $0x30E00, s6  }
0x1f: {  	s23 =	simm.s32 $0x15900;
	s6 =	sadd.s32 $0x31000, s6;
	[dreg:$0x3] =	wrdreg s7  }
0x20: {  	s24 =	simm.s32 $0x16100;
	[dreg:$0x4] =	wrdreg s6;
	s3 =	sadd.s32 s3, s5  }
0x21: {  	s18 =	sadd.s32 s5, s1;
	s5 =	simm.s32 $0x4100;
	[dreg:$0x5] =	wrdreg s3  }
0x22: {  	s25 =	simm.s32 $0x16900;
	s6 =	simm.s32 $0x4900;
	[dreg:$0xf] =	wrdreg s5  }
0x23: {  	s26 =	simm.s32 $0x17100;
	s7 =	simm.s32 $0x5100;
	[dreg:$0x10] =	wrdreg s6  }
0x24: {  	s19 =	sadd.s32 $0xE00, s18;
	[dreg:$0x11] =	wrdreg s7;
	s3 =	sadd.s32 $0x31200, s1  }
0x25: {  	s18 =	simm.s32 $0xA900;
	s5 =	sadd.s32 $0x31400, s1;
	[dreg:$0x6] =	wrdreg s19  }
0x26: {  	v2 =	vlaneseq.u32;
	s7 =	simm.s32 $0x5;
	s19 =	sshrl.u32 s4, $0x1;
	[dreg:$0x1c] =	wrdreg s18  }
0x27: {  	vm0 =	vmmov $0xffff;
	v1 =	vshrl.u32 v2, $0x3;
	s18 =	simm.s32 $0x13100;
	s6 =	ssub.s32 s4, s19;
	s4 =	sadd.s32 $0x31300, s1  }
0x28: {  	v0 =	vand.u32 $0x7, v2;
	v2 =	vor.u32 $0x8, v2;
	v1 =	vmul.u32 $0x8, v1;
	s19 =	simm.s32 $0x13900;
	s1 =	simm.s32 $0x4;
	s6 =	smax.u32 s6, $0x1  }
.LBB2_1:
0x29: {  	s0 =	rddreg [dreg:$0x3]  }
0x2a: {  	[tilespmem:s2], [sflag:$0x5] =	stream.linear.gather [hbm4b:s0+s2], $0x40, $0x38;
	[tilespmem:$0x18100] =	vst v63  }
0x2b: {  	_ =	swait.ge [sflag:s7], $0x40  }
0x2c: {  	s0 =	rddreg [dreg:$0x4];
	[sflag:s7] =	ssyncset.done $0x0  }
0x2d: {  	s10 =	rddreg [dreg:$0x7];
	[sflag:s7] =	ssyncadd.s32 $0xFFFFFFC0  }
0x2e: {  	[tilespmem:s10], [sflag:$0x5] =	stream.linear.gather [hbm4b:s0+s2], $0x40, $0x38;
	[tilespmem:$0x18100] =	vst v63  }
0x2f: {  	_ =	swait.ge [sflag:s7], $0x40  }
0x30: {  	[sflag:s7] =	ssyncset.done $0x0  }
0x31: {  	[sflag:s7] =	ssyncadd.s32 $0xFFFFFFC0  }
0x32: {  	v3 =	vld [tilespmem:$0x0];
	_ =	sdelay $0x4  }
0x33: {  	v4 =	vshrl.u32 v3, $0x3  }
0x34: {  	v4 =	vmul.u32 $0x30, v4  }
0x35: {  	v3 =	vand.u32 $0x7, v3  }
0x36: {  	v3 =	vor.u32 v3, v4  }
0x37: {  	v4 =	vperm.xlane v3, v0;
	_ =	sdelay $0x1  }
0x38: {  	v4 =	vadd.s32 v1, v4;
	_ =	sdelay $0x3  }
0x39: {  	v3 =	vperm.xlane v3, v2  }
0x3a: {  	[tilespmem:s8], [sflag:$0x1] =	stream.indirect_vreg.gather [hbm4b:s3+s2], $0x80, v4, vm0, $0xb8;
	[tilespmem:$0x18100] =	vst v63  }
0x3b: {  	s0 =	rddreg [dreg:$0x8];
	v3 =	vadd.s32 v1, v3  }
0x3c: {  	[tilespmem:s0], [sflag:$0x1] =	stream.indirect_vreg.gather [hbm4b:s4+s2], $0x80, v4, vm0, $0xb8;
	[tilespmem:$0x18100] =	vst v63  }
0x3d: {  	s10 =	rddreg [dreg:$0x9]  }
0x3e: {  	[tilespmem:s10], [sflag:$0x1] =	stream.indirect_vreg.gather [hbm4b:s5+s2], $0x80, v4, vm0, $0xb8;
	[tilespmem:$0x18100] =	vst v63  }
0x3f: {  	s0 =	rddreg [dreg:$0xa]  }
0x40: {  	[tilespmem:s0], [sflag:$0x1] =	stream.indirect_vreg.gather [hbm4b:s3+s2], $0x80, v3, vm0, $0xb8;
	[tilespmem:$0x18100] =	vst v63  }
0x41: {  	s10 =	rddreg [dreg:$0xb]  }
0x42: {  	[tilespmem:s10], [sflag:$0x1] =	stream.indirect_vreg.gather [hbm4b:s4+s2], $0x80, v3, vm0, $0xb8;
	[tilespmem:$0x18100] =	vst v63  }
0x43: {  	s0 =	rddreg [dreg:$0xc]  }
0x44: {  	[tilespmem:s0], [sflag:$0x1] =	stream.indirect_vreg.gather [hbm4b:s5+s2], $0x80, v3, vm0, $0xb8;
	[tilespmem:$0x18100] =	vst v63  }
0x45: {  	v3 =	vld [tilespmem:$0x10];
	_ =	sdelay $0x4  }
0x46: {  	v57 =	vshrl.u32 v3, $0x3  }
0x47: {  	v4 =	vmul.u32 $0x30, v57  }
0x48: {  	v3 =	vand.u32 $0x7, v3  }
0x49: {  	v3 =	vor.u32 v3, v4  }
0x4a: {  	v4 =	vperm.xlane v3, v0;
	_ =	sdelay $0x1  }
0x4b: {  	v4 =	vadd.s32 v1, v4;
	_ =	sdelay $0x3  }
0x4c: {  	s0 =	rddreg [dreg:$0xd];
	v3 =	vperm.xlane v3, v2  }
0x4d: {  	[tilespmem:s0], [sflag:$0x1] =	stream.indirect_vreg.gather [hbm4b:s3+s2], $0x80, v4, vm0, $0xb8;
	[tilespmem:$0x18100] =	vst v63  }
0x4e: {  	s10 =	rddreg [dreg:$0xe];
	v3 =	vadd.s32 v1, v3  }
0x4f: {  	[tilespmem:s10], [sflag:$0x1] =	stream.indirect_vreg.gather [hbm4b:s4+s2], $0x80, v4, vm0, $0xb8;
	[tilespmem:$0x18100] =	vst v63  }
0x50: {  	s0 =	rddreg [dreg:$0xf]  }
0x51: {  	[tilespmem:s0], [sflag:$0x1] =	stream.indirect_vreg.gather [hbm4b:s5+s2], $0x80, v4, vm0, $0xb8;
	[tilespmem:$0x18100] =	vst v63  }
0x52: {  	s10 =	rddreg [dreg:$0x10]  }
0x53: {  	[tilespmem:s10], [sflag:$0x1] =	stream.indirect_vreg.gather [hbm4b:s3+s2], $0x80, v3, vm0, $0xb8;
	[tilespmem:$0x18100] =	vst v63  }
0x54: {  	s0 =	rddreg [dreg:$0x11]  }
0x55: {  	[tilespmem:s0], [sflag:$0x1] =	stream.indirect_vreg.gather [hbm4b:s4+s2], $0x80, v3, vm0, $0xb8;
	[tilespmem:$0x18100] =	vst v63  }
0x56: {  	s10 =	rddreg [dreg:$0x12]  }
0x57: {  	[tilespmem:s10], [sflag:$0x1] =	stream.indirect_vreg.gather [hbm4b:s5+s2], $0x80, v3, vm0, $0xb8;
	[tilespmem:$0x18100] =	vst v63  }
0x58: {  	v3 =	vld [tilespmem:$0x20];
	_ =	sdelay $0x4  }
0x59: {  	v58 =	vshrl.u32 v3, $0x3  }
0x5a: {  	v4 =	vmul.u32 $0x30, v58  }
0x5b: {  	v3 =	vand.u32 $0x7, v3  }
0x5c: {  	v3 =	vor.u32 v3, v4  }
0x5d: {  	v4 =	vperm.xlane v3, v0;
	_ =	sdelay $0x1  }
0x5e: {  	v4 =	vadd.s32 v1, v4;
	_ =	sdelay $0x3  }
0x5f: {  	s0 =	rddreg [dreg:$0x13];
	v3 =	vperm.xlane v3, v2  }
0x60: {  	[tilespmem:s0], [sflag:$0x1] =	stream.indirect_vreg.gather [hbm4b:s3+s2], $0x80, v4, vm0, $0xb8;
	[tilespmem:$0x18100] =	vst v63  }
0x61: {  	s10 =	rddreg [dreg:$0x14];
	v3 =	vadd.s32 v1, v3  }
0x62: {  	[tilespmem:s10], [sflag:$0x1] =	stream.indirect_vreg.gather [hbm4b:s4+s2], $0x80, v4, vm0, $0xb8;
	[tilespmem:$0x18100] =	vst v63  }
0x63: {  	s0 =	rddreg [dreg:$0x15]  }
0x64: {  	[tilespmem:s0], [sflag:$0x1] =	stream.indirect_vreg.gather [hbm4b:s5+s2], $0x80, v4, vm0, $0xb8;
	[tilespmem:$0x18100] =	vst v63  }
0x65: {  	s10 =	rddreg [dreg:$0x16]  }
0x66: {  	[tilespmem:s10], [sflag:$0x1] =	stream.indirect_vreg.gather [hbm4b:s3+s2], $0x80, v3, vm0, $0xb8;
	[tilespmem:$0x18100] =	vst v63  }
0x67: {  	s0 =	rddreg [dreg:$0x17]  }
0x68: {  	[tilespmem:s0], [sflag:$0x1] =	stream.indirect_vreg.gather [hbm4b:s4+s2], $0x80, v3, vm0, $0xb8;
	[tilespmem:$0x18100] =	vst v63  }
0x69: {  	s10 =	rddreg [dreg:$0x18]  }
0x6a: {  	[tilespmem:s10], [sflag:$0x1] =	stream.indirect_vreg.gather [hbm4b:s5+s2], $0x80, v3, vm0, $0xb8;
	[tilespmem:$0x18100] =	vst v63  }
0x6b: {  	v3 =	vld [tilespmem:$0x30];
	_ =	sdelay $0x4  }
0x6c: {  	v59 =	vshrl.u32 v3, $0x3  }
0x6d: {  	v4 =	vmul.u32 $0x30, v59  }
0x6e: {  	v3 =	vand.u32 $0x7, v3  }
0x6f: {  	v3 =	vor.u32 v3, v4  }
0x70: {  	v4 =	vperm.xlane v3, v0;
	_ =	sdelay $0x1  }
0x71: {  	v4 =	vadd.s32 v1, v4;
	_ =	sdelay $0x3  }
0x72: {  	s0 =	rddreg [dreg:$0x19];
	v3 =	vperm.xlane v3, v2  }
0x73: {  	[tilespmem:s0], [sflag:$0x1] =	stream.indirect_vreg.gather [hbm4b:s3+s2], $0x80, v4, vm0, $0xb8;
	[tilespmem:$0x18100] =	vst v63  }
0x74: {  	s10 =	rddreg [dreg:$0x1a];
	v3 =	vadd.s32 v1, v3  }
0x75: {  	[tilespmem:s10], [sflag:$0x1] =	stream.indirect_vreg.gather [hbm4b:s4+s2], $0x80, v4, vm0, $0xb8;
	[tilespmem:$0x18100] =	vst v63  }
0x76: {  	s0 =	rddreg [dreg:$0x1b]  }
0x77: {  	[tilespmem:s0], [sflag:$0x1] =	stream.indirect_vreg.gather [hbm4b:s5+s2], $0x80, v4, vm0, $0xb8;
	[tilespmem:$0x18100] =	vst v63  }
0x78: {  	s10 =	rddreg [dreg:$0x1c]  }
0x79: {  	[tilespmem:s10], [sflag:$0x1] =	stream.indirect_vreg.gather [hbm4b:s3+s2], $0x80, v3, vm0, $0xb8;
	[tilespmem:$0x18100] =	vst v63  }
0x7a: {  	s0 =	rddreg [dreg:$0x1d]  }
0x7b: {  	[tilespmem:s0], [sflag:$0x1] =	stream.indirect_vreg.gather [hbm4b:s4+s2], $0x80, v3, vm0, $0xb8;
	[tilespmem:$0x18100] =	vst v63  }
0x7c: {  	s10 =	rddreg [dreg:$0x1e]  }
0x7d: {  	[tilespmem:s10], [sflag:$0x1] =	stream.indirect_vreg.gather [hbm4b:s5+s2], $0x80, v3, vm0, $0xb8;
	[tilespmem:$0x18100] =	vst v63  }
0x7e: {  	v3 =	vld [tilespmem:$0x80];
	_ =	sdelay $0x4  }
0x7f: {  	v60 =	vshrl.u32 v3, $0x3  }
0x80: {  	v4 =	vmul.u32 $0x30, v60  }
0x81: {  	v3 =	vand.u32 $0x7, v3  }
0x82: {  	v3 =	vor.u32 v3, v4  }
0x83: {  	v4 =	vperm.xlane v3, v0;
	_ =	sdelay $0x1  }
0x84: {  	v4 =	vadd.s32 v1, v4;
	_ =	sdelay $0x3  }
0x85: {  	s0 =	rddreg [dreg:$0x1f];
	v3 =	vperm.xlane v3, v2  }
0x86: {  	[tilespmem:s9], [sflag:$0x2] =	stream.indirect_vreg.gather [hbm4b:s3+s2], $0x80, v4, vm0, $0xb8;
	[tilespmem:$0x18100] =	vst v63  }
0x87: {  	s10 =	sld [smem:$0x7FA];
	v3 =	vadd.s32 v1, v3  }
0x88: {  	[tilespmem:s0], [sflag:$0x2] =	stream.indirect_vreg.gather [hbm4b:s4+s2], $0x80, v4, vm0, $0xb8;
	[tilespmem:$0x18100] =	vst v63  }
0x89: {  	s0 =	sld [smem:$0x7FB]  }
0x8a: {  	[tilespmem:s10], [sflag:$0x2] =	stream.indirect_vreg.gather [hbm4b:s5+s2], $0x80, v4, vm0, $0xb8;
	[tilespmem:$0x18100] =	vst v63  }
0x8b: {  	s10 =	sld [smem:$0x7FC]  }
0x8c: {  	[tilespmem:s0], [sflag:$0x2] =	stream.indirect_vreg.gather [hbm4b:s3+s2], $0x80, v3, vm0, $0xb8;
	[tilespmem:$0x18100] =	vst v63  }
0x8d: {  	s0 =	sld [smem:$0x7FD]  }
0x8e: {  	[tilespmem:s10], [sflag:$0x2] =	stream.indirect_vreg.gather [hbm4b:s4+s2], $0x80, v3, vm0, $0xb8;
	[tilespmem:$0x18100] =	vst v63  }
0x8f: {  	_ = 	snop  }
0x90: {  	[tilespmem:s0], [sflag:$0x2] =	stream.indirect_vreg.gather [hbm4b:s5+s2], $0x80, v3, vm0, $0xb8;
	[tilespmem:$0x18100] =	vst v63  }
0x91: {  	v3 =	vld [tilespmem:$0x90];
	_ =	sdelay $0x4  }
0x92: {  	v61 =	vshrl.u32 v3, $0x3  }
0x93: {  	v4 =	vmul.u32 $0x30, v61  }
0x94: {  	v3 =	vand.u32 $0x7, v3  }
0x95: {  	v3 =	vor.u32 v3, v4  }
0x96: {  	v4 =	vperm.xlane v3, v0;
	_ =	sdelay $0x1  }
0x97: {  	v4 =	vadd.s32 v1, v4;
	_ =	sdelay $0x3  }
0x98: {  	s10 =	simm.s32 $0xF100;
	v3 =	vperm.xlane v3, v2  }
0x99: {  	[tilespmem:s10], [sflag:$0x2] =	stream.indirect_vreg.gather [hbm4b:s3+s2], $0x80, v4, vm0, $0xb8;
	[tilespmem:$0x18100] =	vst v63  }
0x9a: {  	v3 =	vadd.s32 v1, v3  }
0x9b: {  	[tilespmem:s11], [sflag:$0x2] =	stream.indirect_vreg.gather [hbm4b:s4+s2], $0x80, v4, vm0, $0xb8;
	[tilespmem:$0x18100] =	vst v63  }
0x9c: {  	_ = 	snop  }
0x9d: {  	[tilespmem:s12], [sflag:$0x2] =	stream.indirect_vreg.gather [hbm4b:s5+s2], $0x80, v4, vm0, $0xb8;
	[tilespmem:$0x18100] =	vst v63  }
0x9e: {  	_ = 	snop  }
0x9f: {  	[tilespmem:s13], [sflag:$0x2] =	stream.indirect_vreg.gather [hbm4b:s3+s2], $0x80, v3, vm0, $0xb8;
	[tilespmem:$0x18100] =	vst v63  }
0xa0: {  	_ = 	snop  }
0xa1: {  	[tilespmem:s14], [sflag:$0x2] =	stream.indirect_vreg.gather [hbm4b:s4+s2], $0x80, v3, vm0, $0xb8;
	[tilespmem:$0x18100] =	vst v63  }
0xa2: {  	_ = 	snop  }
0xa3: {  	[tilespmem:s15], [sflag:$0x2] =	stream.indirect_vreg.gather [hbm4b:s5+s2], $0x80, v3, vm0, $0xb8;
	[tilespmem:$0x18100] =	vst v63  }
0xa4: {  	v3 =	vld [tilespmem:$0xA0];
	_ =	sdelay $0x4  }
0xa5: {  	v62 =	vshrl.u32 v3, $0x3  }
0xa6: {  	v4 =	vmul.u32 $0x30, v62  }
0xa7: {  	v3 =	vand.u32 $0x7, v3  }
0xa8: {  	v3 =	vor.u32 v3, v4  }
0xa9: {  	v4 =	vperm.xlane v3, v0;
	_ =	sdelay $0x1  }
0xaa: {  	v4 =	vadd.s32 v1, v4;
	_ =	sdelay $0x3  }
0xab: {  	v3 =	vperm.xlane v3, v2  }
0xac: {  	[tilespmem:s16], [sflag:$0x2] =	stream.indirect_vreg.gather [hbm4b:s3+s2], $0x80, v4, vm0, $0xb8;
	[tilespmem:$0x18100] =	vst v63  }
0xad: {  	v3 =	vadd.s32 v1, v3  }
0xae: {  	[tilespmem:s17], [sflag:$0x2] =	stream.indirect_vreg.gather [hbm4b:s4+s2], $0x80, v4, vm0, $0xb8;
	[tilespmem:$0x18100] =	vst v63  }
0xaf: {  	_ = 	snop  }
0xb0: {  	[tilespmem:s18], [sflag:$0x2] =	stream.indirect_vreg.gather [hbm4b:s5+s2], $0x80, v4, vm0, $0xb8;
	[tilespmem:$0x18100] =	vst v63  }
0xb1: {  	_ = 	snop  }
0xb2: {  	[tilespmem:s19], [sflag:$0x2] =	stream.indirect_vreg.gather [hbm4b:s3+s2], $0x80, v3, vm0, $0xb8;
	[tilespmem:$0x18100] =	vst v63  }
0xb3: {  	_ = 	snop  }
0xb4: {  	[tilespmem:s20], [sflag:$0x2] =	stream.indirect_vreg.gather [hbm4b:s4+s2], $0x80, v3, vm0, $0xb8;
	[tilespmem:$0x18100] =	vst v63  }
0xb5: {  	_ = 	snop  }
0xb6: {  	[tilespmem:s21], [sflag:$0x2] =	stream.indirect_vreg.gather [hbm4b:s5+s2], $0x80, v3, vm0, $0xb8;
	[tilespmem:$0x18100] =	vst v63  }
0xb7: {  	v3 =	vld [tilespmem:$0xB0];
	_ =	sdelay $0x4  }
0xb8: {  	v63 =	vshrl.u32 v3, $0x3  }
0xb9: {  	v4 =	vmul.u32 $0x30, v63  }
0xba: {  	v3 =	vand.u32 $0x7, v3  }
0xbb: {  	v3 =	vor.u32 v3, v4  }
0xbc: {  	v4 =	vperm.xlane v3, v0;
	_ =	sdelay $0x1  }
0xbd: {  	v4 =	vadd.s32 v1, v4;
	_ =	sdelay $0x3  }
0xbe: {  	v3 =	vperm.xlane v3, v2  }
0xbf: {  	[tilespmem:s22], [sflag:$0x2] =	stream.indirect_vreg.gather [hbm4b:s3+s2], $0x80, v4, vm0, $0xb8;
	[tilespmem:$0x18100] =	vst v63  }
0xc0: {  	v3 =	vadd.s32 v1, v3  }
0xc1: {  	[tilespmem:s23], [sflag:$0x2] =	stream.indirect_vreg.gather [hbm4b:s4+s2], $0x80, v4, vm0, $0xb8;
	[tilespmem:$0x18100] =	vst v63  }
0xc2: {  	_ = 	snop  }
0xc3: {  	[tilespmem:s24], [sflag:$0x2] =	stream.indirect_vreg.gather [hbm4b:s5+s2], $0x80, v4, vm0, $0xb8;
	[tilespmem:$0x18100] =	vst v63  }
0xc4: {  	_ = 	snop  }
0xc5: {  	[tilespmem:s25], [sflag:$0x2] =	stream.indirect_vreg.gather [hbm4b:s3+s2], $0x80, v3, vm0, $0xb8;
	[tilespmem:$0x18100] =	vst v63  }
0xc6: {  	_ = 	snop  }
0xc7: {  	[tilespmem:s26], [sflag:$0x2] =	stream.indirect_vreg.gather [hbm4b:s4+s2], $0x80, v3, vm0, $0xb8;
	[tilespmem:$0x18100] =	vst v63  }
0xc8: {  	_ = 	snop  }
0xc9: {  	[tilespmem:s28], [sflag:$0x2] =	stream.indirect_vreg.gather [hbm4b:s5+s2], $0x80, v3, vm0, $0xb8;
	[tilespmem:$0x18100] =	vst v63  }
0xca: {  	_ =	swait.ge [sflag:s29], $0xC000  }
0xcb: {  	[sflag:s29] =	ssyncset.done $0x0  }
0xcc: {  	s10 =	rddreg [dreg:$0x5];
	[sflag:s29] =	ssyncadd.s32 $0xFFFF4000  }
0xcd: {  	[hbm4b:s10+s2] =	stream.linear.scatter [tilespmem:s8], [sflag:$0x3], $0xC000, $0x38;
	[tilespmem:$0x18100] =	vst v63  }
0xce: {  	_ =	swait.ge [sflag:s30], $0xC000  }
0xcf: {  	[sflag:s30] =	ssyncset.done $0x0  }
0xd0: {  	s10 =	rddreg [dreg:$0x6];
	[sflag:s30] =	ssyncadd.s32 $0xFFFF4000  }
0xd1: {  	[hbm4b:s10+s2] =	stream.linear.scatter [tilespmem:s9], [sflag:$0x4], $0xC000, $0x38;
	[tilespmem:$0x18100] =	vst v63  }
0xd2: {  	p0 =	sne.s32 s6, $0x1;
	_ =	swait.ge [sflag:s31], $0xC000  }
.Ltmp0:
0xd3: {  	[sflag:s31] =	ssyncset.done $0x0;
	(pc) =	sbr.rel @p0 .LBB2_1-.Ltmp0, $4  }
0xd4: {  	[sflag:s31] =	ssyncadd.s32 $0xFFFF4000  }
0xd5: {  	_ =	swait.ge [sflag:s1], $0xC000  }
0xd6: {  	[sflag:s1] =	ssyncset.done $0x0  }
0xd7: {  	s6 =	sadd.s32 $0xFFFFFFFF, s6;
	[sflag:s1] =	ssyncadd.s32 $0xFFFF4000  }
0xd8: {  	_ =	sfence.sel $0x180000  }
0xd9: {  	[bflag:$0x0] =	sbarrier.arrive $0xFFFF  }
0xda: {  	_ =	strace $0x9000004A  }
0xdb: {  	s0 =	stileid.u32;
	[bflag:$0x2] =	sbarrier.arrive $0xFFFF  }
0xdc: {  	p0 =	sne.s32 s0, $0x0;
	s0 =	rddreg [dreg:$0x2]  }
0xdd: {  	s0 =	sadd.s32 @!p0 $0x100000, s0  }
0xde: {  	[sflag:s0] =	ssyncadd.tile.s32 @!p0 $0x1;
	_ =	shalt  }
.Lfunc_end2:
_tile_overlayer_lowered:
.L_overlay_start_2:
0xdf: {  	(tag) =	ssettag $0x2  }
0xe0: {  	s0 =	rddreg [dreg:$0x0];
	s2 =	stileid.u32  }
0xe1: {  	s1 =	rddreg [dreg:$0x1];
	p0 =	sne.s32 s2, $0x0  }
0xe2: {  	s3 =	rddreg [dreg:$0x2];
	[bflag:$0x3] =	sbarrier.arrive $0xFFFF;
	s2 =	simm.s32 @!p0 $0x1C05  }
0xe3: {  	[timem:s3], [sflag:s2] =	dma.local @!p0 [hbm:s0], s1  }
0xe4: {  	s0 =	simm.s32 @!p0 $0x5  }
0xe5: {  	_ =	swait.ge @!p0 [sflag:s0], s1  }
0xe6: {  	s1 =	ssub.s32 @!p0 $0x0, s1;
	[sflag:s0] =	ssyncset.done @!p0 $0x0  }
0xe7: {  	[sflag:s0] =	ssyncadd.s32 @!p0 s1  }
0xe8: {  	[bflag:$0x3] =	sbarrier.arrive $0xFFFF  }
0xe9: {  	_ =	shalt  }

// kernel: _run.7.cloned.1.call-start
scs
__scs_entry_jumppad:
0x0: {  	(pc) =	sbr.rel $0x88, $3  }
0x1: {  	(tag) =	ssettag $0x0;
	lr =	simm.s32 $0x1  }
0x2: {  	[smem:$0x3F96] =	sst lr;
	_ =	strace $0xD0000000  }
0x3: {  	_ = 	snop  }
0x4: {  	_ = 	snop  }
0x5: {  	_ = 	snop  }
0x6: {  	_ = 	snop  }
0x7: {  	_ = 	snop  }
__scs_overlays_trampoline_lowered:
0x8: {  	[smem:$0x3FA5] =	sst s0  }
0x9: {  	[smem:$0x3FA6] =	sst s1  }
0xa: {  	[smem:$0x3FA7] =	sst s2  }
0xb: {  	[smem:$0x3FA8] =	sst s3  }
0xc: {  	[smem:$0x3FA9] =	sst s4  }
0xd: {  	[smem:$0x3FAA] =	sst s5  }
0xe: {  	[smem:$0x3FAB] =	sst s6  }
0xf: {  	[smem:$0x3FAC] =	sst s7  }
0x10: {  	[smem:$0x3FAD] =	sst s8  }
0x11: {  	[smem:$0x3FAE] =	sst s9;
	s0 =	simm.s32 @!p0 $0x0  }
0x12: {  	s1 =	sld [smem:$0x3F94];
	s0 =	simm.s32 @p0 $0x1  }
0x13: {  	[smem:$0x3FAF] =	sst s0;
	s0 =	simm.s32 @!p1 $0x0  }
0x14: {  	s2 =	sld [smem:$0x3F93];
	s0 =	simm.s32 @p1 $0x1  }
0x15: {  	[smem:$0x3FB0] =	sst s0;
	s0 =	simm.s32 @!p2 $0x0  }
0x16: {  	s3 =	sld [smem:$0x3FDB];
	s0 =	simm.s32 @p2 $0x1  }
0x17: {  	s4 =	simm.s32 $0x1BF5;
	[smem:$0x3FB2] =	sst s0  }
0x18: {  	s0 =	sld [smem:$0x3F95];
	_ =	swait.ge [sflag:s4], $0x0  }
0x19: {  	s7 =	sld [smem:$0x3F96]  }
0x1a: {  	s8 =	sadd.s32 $0xFFFFE003, lr  }
0x1b: {  	s9 =	sadd.s32 $0xFFFFFEF7, lr;
	s5 =	simm.s32 $0xFFFFFFFF;
	p2 =	slt.u32 s8, $0xFFFFF086  }
0x1c: {  	p1 =	slt.u32 s9, $0xF7A;
	s5 =	simm.s32 @!p2 $0x0  }
0x1d: {  	s5 =	simm.s32 @p1 $0x1;
	p0 =	seq.s32 s7, s2  }
0x1e: {  	s7 =	smul.u32 @!p0 $0xF7A, s2;
	p2 =	seq.s32 @!p0 s5, $0x0  }
0x1f: {  	s9 =	smul.u32 $0xF7A, s1;
	s8 =	simm.s32 @!p0 $0x1BF5;
	p2 =	por !p2, p0  }
0x20: {  	[sflag:s8] =	ssyncset.s32 @!p0 $0xFFFFF086;
	s6 =	sadd.s32 @!p0 s3, s7;
	s7 =	simm.s32 @!p0 $0x108  }
0x21: {  	s3 =	sadd.s32 s3, s9;
	s6 =	sadd.s32 @!p0 $0x88, s6;
	s7 =	simm.s32 @p2 $0x1082  }
0x22: {  	[simem:s7], [sflag:s8] =	dma.local @!p0 [hbm:s6], $0xF7A  }
0x23: {  	s9 =	sor.u32 $0xD0000000, s2;
	s6 =	simm.s32 $0x108;
	_ =	swait.ge @!p0 [sflag:s8], $0x0  }
0x24: {  	s3 =	sadd.s32 $0x88, s3;
	s6 =	simm.s32 @!p1 $0x1082;
	[sflag:s4] =	ssyncset.s32 $0xFFFFF086  }
0x25: {  	[simem:s6], [sflag:s4] =	dma.local [hbm:s3], $0xF7A  }
0x26: {  	[smem:$0x3F96] =	sst s1;
	(tag) =	ssettag s2;
	_ =	strace s9  }
0x27: {  	s1 =	sld [smem:$0x3FA6]  }
0x28: {  	s2 =	sld [smem:$0x3FA7]  }
0x29: {  	s4 =	sld [smem:$0x3FA9]  }
0x2a: {  	p0 =	seq.s32 s5, $0x0;
	s5 =	sld [smem:$0x3FAA]  }
0x2b: {  	s6 =	sld [smem:$0x3FAB]  }
0x2c: {  	s7 =	sld [smem:$0x3FAC]  }
0x2d: {  	s3 =	simm.s32 $0x108;
	s8 =	sld [smem:$0x3FAD]  }
0x2e: {  	s3 =	simm.s32 @!p0 $0x1082;
	s9 =	sld [smem:$0x3FAE]  }
0x2f: {  	lr =	sadd.s32 s0, s3;
	s0 =	sld [smem:$0x3FA5]  }
0x30: {  	s3 =	sld [smem:$0x3FA8]  }
0x31: {  	[smem:$0x3FB1] =	sst s10  }
0x32: {  	s10 =	sld [smem:$0x3FAF];
	_ =	sdelay $0x3  }
0x33: {  	p0 =	seq.s32 s10, $0x1;
	s10 =	sld [smem:$0x3FB1];
	_ =	sdelay $0x3  }
0x34: {  	[smem:$0x3FB1] =	sst s10  }
0x35: {  	s10 =	sld [smem:$0x3FB0];
	_ =	sdelay $0x3  }
0x36: {  	p1 =	seq.s32 s10, $0x1;
	s10 =	sld [smem:$0x3FB1];
	_ =	sdelay $0x3  }
0x37: {  	[smem:$0x3FB1] =	sst s10  }
0x38: {  	s10 =	sld [smem:$0x3FB2]  }
0x39: {  	_ = 	snop;
	(pc) =	sbr.ind lr, $3  }
0x3a: {  	_ = 	snop  }
0x3b: {  	_ = 	snop  }
0x3c: {  	p2 =	seq.s32 s10, $0x1;
	s10 =	sld [smem:$0x3FB1]  }
0x3d: {  	_ =	shalt  }
0x3e: {  	_ =	shalt  }
0x3f: {  	_ =	shalt  }
0x40: {  	_ =	shalt  }
0x41: {  	_ =	shalt  }
0x42: {  	_ =	shalt  }
0x43: {  	_ =	shalt  }
0x44: {  	_ =	shalt  }
0x45: {  	_ =	shalt  }
0x46: {  	_ =	shalt  }
0x47: {  	_ =	shalt  }
0x48: {  	_ =	shalt  }
0x49: {  	_ =	shalt  }
0x4a: {  	_ =	shalt  }
0x4b: {  	_ =	shalt  }
0x4c: {  	_ =	shalt  }
0x4d: {  	_ =	shalt  }
0x4e: {  	_ =	shalt  }
0x4f: {  	_ =	shalt  }
0x50: {  	_ =	shalt  }
0x51: {  	_ =	shalt  }
0x52: {  	_ =	shalt  }
0x53: {  	_ =	shalt  }
0x54: {  	_ =	shalt  }
0x55: {  	_ =	shalt  }
0x56: {  	_ =	shalt  }
0x57: {  	_ =	shalt  }
0x58: {  	_ =	shalt  }
0x59: {  	_ =	shalt  }
0x5a: {  	_ =	shalt  }
0x5b: {  	_ =	shalt  }
0x5c: {  	_ =	shalt  }
0x5d: {  	_ =	shalt  }
0x5e: {  	_ =	shalt  }
0x5f: {  	_ =	shalt  }
0x60: {  	_ =	shalt  }
0x61: {  	_ =	shalt  }
0x62: {  	_ =	shalt  }
0x63: {  	_ =	shalt  }
0x64: {  	_ =	shalt  }
0x65: {  	_ =	shalt  }
0x66: {  	_ =	shalt  }
0x67: {  	_ =	shalt  }
0x68: {  	_ =	shalt  }
0x69: {  	_ =	shalt  }
0x6a: {  	_ =	shalt  }
0x6b: {  	_ =	shalt  }
0x6c: {  	_ =	shalt  }
0x6d: {  	_ =	shalt  }
0x6e: {  	_ =	shalt  }
0x6f: {  	_ =	shalt  }
0x70: {  	_ =	shalt  }
0x71: {  	_ =	shalt  }
0x72: {  	_ =	shalt  }
0x73: {  	_ =	shalt  }
0x74: {  	_ =	shalt  }
0x75: {  	_ =	shalt  }
0x76: {  	_ =	shalt  }
0x77: {  	_ =	shalt  }
0x78: {  	_ =	shalt  }
0x79: {  	_ =	shalt  }
0x7a: {  	_ =	shalt  }
0x7b: {  	_ =	shalt  }
0x7c: {  	_ =	shalt  }
0x7d: {  	_ =	shalt  }
0x7e: {  	_ =	shalt  }
0x7f: {  	_ =	shalt  }
0x80: {  	_ =	shalt  }
0x81: {  	_ =	shalt  }
0x82: {  	_ =	shalt  }
0x83: {  	_ =	shalt  }
0x84: {  	_ =	shalt  }
0x85: {  	_ =	shalt  }
0x86: {  	_ =	shalt  }
0x87: {  	_ =	shalt  }
.Lfunc_end0:
.L_simem_size_0:
called_computation_lowered:
.L_overlay_start_0:
0x88: {  	s2 =	sld [smem:$0x3FD9]  }
0x89: {  	s3 =	sld [smem:$0x3FFE];
	_ =	sdelay $0x1  }
0x8a: {  	s1 =	srdreg.scid  }
0x8b: {  	s0 =	sand.u32 $0x1, s1  }
0x8c: {  	s17 =	sshll.u32 s0, $0xA;
	s2 =	sadd.s32 s3, s2  }
0x8d: {  	s2 =	sadd.s32 s2, s17  }
0x8e: {  	[smem:$0x3FBD] =	sst s2  }
0x8f: {  	_ = 	snop  }
0x90: {  	s2 =	sld [smem:$0x3FD0];
	(tm) =	ssettm $0x1  }
0x91: {  	s18 =	sld [smem:$0x3FFB];
	_ =	sdelay $0x3  }
0x92: {  	_ =	strace s18  }
0x93: {  	s3 =	sld [smem:$0x3FFC];
	_ =	sdelay $0x3  }
0x94: {  	_ =	strace s3  }
0x95: {  	s3 =	sld [smem:$0x3FFD];
	_ =	sdelay $0x3  }
0x96: {  	_ =	strace s3  }
0x97: {  	_ =	strace $0x8FFFFFFF  }
0x98: {  	s19 =	sld [smem:$0x3FDB];
	_ =	sdelay $0x1  }
0x99: {  	s4 =	simm.s32 $_scs_section_size  }
0x9a: {  	s5 =	simm.s32 $_size__tile_overlayer_lowered;
	s6 =	simm.s32 $_tile_overlayer_lowered  }
0x9b: {  	s22 =	simm.s32 $0x1BFF;
	s21 =	sshll.u32 s6, $0x1;
	s3 =	sadd.s32 s4, s19  }
0x9c: {  	s7 =	simm.s32 $0x0;
	s20 =	sshll.u32 s5, $0x1;
	s5 =	sadd.s32 s21, s3  }
0x9d: {  	[timem:s7], [sflag:s22] =	dma.local [hbm:s5], s20  }
0x9e: {  	_ =	swait.ge [sflag:s22], s20  }
0x9f: {  	s4 =	ssub.s32 $0x0, s20;
	[sflag:s22] =	ssyncset.done $0x0  }
0xa0: {  	[sflag:s22] =	ssyncadd.s32 s4;
	_ =	sdelay $0x1  }
0xa1: {  	s23 =	simm.s32 $0x1B8B  }
0xa2: {  	_ =	swait.ge [sflag:s23], $0x1  }
0xa3: {  	[sflag:s23] =	ssyncset.done $0x0  }
0xa4: {  	s25 =	simm.s32 $0x1B8E;
	s24 =	sld [smem:$0x3FFE];
	[sflag:s23] =	ssyncadd.s32 $0xFFFFFFFF  }
0xa5: {  	s26 =	simm.s32 $execute0_lowered;
	[smem:$0x3FD2] =	sst s25  }
0xa6: {  	s5 =	sshll.u32 s26, $0x1;
	_ =	strace $0x80000046;
	[dreg:$0x1] =	wrdreg $0xFFFFFFFF  }
0xa7: {  	s28 =	simm.s32 $_size_execute0_lowered;
	s3 =	sadd.s32 s3, s5;
	[dreg:$0x0] =	wrdreg $0x0  }
0xa8: {  	s5 =	sshll.u32 s28, $0x1;
	[dreg:$0x2] =	wrdreg s3  }
0xa9: {  	[dreg:$0x3] =	wrdreg s5  }
0xaa: {  	[dreg:$0x4] =	wrdreg $0xC0  }
0xab: {  	_ =	task [dreg:s7], $0x5FFFF  }
0xac: {  	[dreg:$0x1] =	wrdreg $0xFFFFFFFF  }
0xad: {  	[dreg:$0x0] =	wrdreg $0x60  }
0xae: {  	[dreg:$0x2] =	wrdreg s24  }
0xaf: {  	[dreg:$0x3] =	wrdreg s2  }
0xb0: {  	[dreg:$0x4] =	wrdreg $0x9  }
0xb1: {  	_ =	task.clear_ibuf [dreg:s7], $0x5FFFF;
	_ =	strace $0x90000046  }
0xb2: {  	s29 =	simm.s32 $0x9;
	_ =	strace $0x80000048  }
0xb3: {  	_ =	swait.ge [sflag:s29], $0x1  }
0xb4: {  	[sflag:s29] =	ssyncadd.s32 $0xFFFFFFFF  }
0xb5: {  	_ =	strace $0x90000048  }
0xb6: {  	_ =	sfence  }
0xb7: {  	s30 =	sld [smem:$0x0];
	_ =	sdelay $0x2  }
0xb8: {  	s31 =	sshll.u32 s1, $0xD;
	s1 =	sshrl.u32 s1, $0x2  }
0xb9: {  	s3 =	sand.u32 $0x4000, s31;
	s1 =	sadd.s32 s1, s30  }
0xba: {  	s0 =	sor.u32 s3, s0;
	s1 =	sshll.u32 s1, $0x11  }
0xbb: {  	s0 =	sor.u32 s1, s0  }
0xbc: {  	s0 =	sadd.s32 $0x8F2B, s0  }
0xbd: {  	[sflag:s0] =	ssyncadd.remote.s32 $0x1  }
0xbe: {  	_ =	sfence.sel $0xFFFF  }
0xbf: {  	[dreg:$0x0] =	wrdreg $0xFFFFFFFF;
	(pc) =	sbr.abs _section_cstart, $3  }
0xc0: {  	[dreg:$0x1] =	wrdreg $0xFFFFFFFF  }
0xc1: {  	_ =	task.clear_ibuf [dreg:s7], $0x2FFFF;
	_ =	strace $0x9FFFFFFF  }
0xc2: {  	(tm) =	ssettm $0x7FFFFFFF  }
0xc3: {  	_ =	shalt  }
tec
execute0_lowered:
.L_overlay_start_1:
0x0: {  	(tag) =	ssettag $0x1  }
0x1: {  	s2 =	srdreg.scid;
	s1 =	rddreg [dreg:$0x0]  }
0x2: {  	s3 =	rddreg [dreg:$0x1];
	s4 =	sand.u32 $0x1, s2;
	s2 =	simm.s32 $0x0  }
0x3: {  	s20 =	simm.s32 $0x80;
	[smem:$0x7FF] =	sst s2  }
0x4: {  	s21 =	simm.s32 $0x900;
	_ =	strace $0x80000047;
	[dreg:$0x7] =	wrdreg s20  }
0x5: {  	s22 =	simm.s32 $0x1100;
	[dreg:$0x8] =	wrdreg s21  }
0x6: {  	s23 =	simm.s32 $0x1900;
	[dreg:$0x9] =	wrdreg s22  }
0x7: {  	s24 =	simm.s32 $0x2100;
	[dreg:$0xa] =	wrdreg s23  }
0x8: {  	s25 =	simm.s32 $0x2900;
	[dreg:$0xb] =	wrdreg s24  }
0x9: {  	s0 =	stileid.u32;
	s26 =	simm.s32 $0x3100;
	[dreg:$0xc] =	wrdreg s25  }
0xa: {  	s5 =	sshll.u32 s0, $0x4;
	s0 =	simm.s32 $0x3900;
	[dreg:$0xd] =	wrdreg s26  }
0xb: {  	s9 =	simm.s32 $0x6100;
	[dreg:$0xe] =	wrdreg s0  }
0xc: {  	s10 =	simm.s32 $0x6900;
	[dreg:$0x13] =	wrdreg s9  }
0xd: {  	s11 =	simm.s32 $0x7100;
	[dreg:$0x14] =	wrdreg s10  }
0xe: {  	s12 =	simm.s32 $0x7900;
	s13 =	simm.s32 $0x8100;
	[dreg:$0x15] =	wrdreg s11  }
0xf: {  	s14 =	simm.s32 $0x8900;
	s15 =	simm.s32 $0x9100;
	[dreg:$0x16] =	wrdreg s12  }
0x10: {  	s17 =	simm.s32 $0x9900;
	s18 =	simm.s32 $0xA100;
	[dreg:$0x17] =	wrdreg s13  }
0x11: {  	s28 =	simm.s32 $0x16900;
	s29 =	simm.s32 $0x17100;
	[dreg:$0x18] =	wrdreg s14  }
0x12: {  	s30 =	simm.s32 $0x17900;
	s31 =	simm.s32 $0x3;
	[dreg:$0x19] =	wrdreg s15  }
0x13: {  	s6 =	sshll.u32 s4, $0x3;
	s4 =	ssub.s32 $0x2, s4;
	[dreg:$0x1a] =	wrdreg s17  }
0x14: {  	s5 =	sor.u32 s6, s5;
	s16 =	sshrl.u32 s4, $0x1;
	[dreg:$0x1b] =	wrdreg s18  }
0x15: {  	s20 =	simm.s32 $0xB100;
	s21 =	simm.s32 $0xB900;
	s22 =	simm.s32 $0xC900  }
0x16: {  	s23 =	simm.s32 $0xD100;
	s9 =	simm.s32 $0xC100;
	[dreg:$0x1d] =	wrdreg s20  }
0x17: {  	s24 =	simm.s32 $0xD900;
	s10 =	simm.s32 $0x1;
	[dreg:$0x1e] =	wrdreg s21  }
0x18: {  	s25 =	simm.s32 $0xE100;
	s11 =	simm.s32 $0x2;
	[dreg:$0x1f] =	wrdreg s22  }
0x19: {  	s26 =	simm.s32 $0xE900;
	s13 =	simm.s32 $0xF900;
	[smem:$0x7FA] =	sst s23  }
0x1a: {  	s14 =	simm.s32 $0x10100;
	s15 =	simm.s32 $0x10900;
	[smem:$0x7FB] =	sst s24  }
0x1b: {  	s17 =	simm.s32 $0x11900;
	s18 =	simm.s32 $0x12100;
	[smem:$0x7FC] =	sst s25  }
0x1c: {  	s6 =	smul.u32 $0x300, s5;
	s5 =	sadd.s32 s5, s1;
	[smem:$0x7FD] =	sst s26  }
0x1d: {  	s20 =	simm.s32 $0x13100;
	s21 =	simm.s32 $0x13900;
	s7 =	sadd.s32 $0x30E00, s5  }
0x1e: {  	s22 =	simm.s32 $0x14100;
	s5 =	sadd.s32 $0x31000, s5;
	[dreg:$0x3] =	wrdreg s7  }
0x1f: {  	s23 =	simm.s32 $0x14900;
	[dreg:$0x4] =	wrdreg s5;
	s3 =	sadd.s32 s3, s6  }
0x20: {  	s24 =	simm.s32 $0x15100;
	s5 =	simm.s32 $0x4100;
	[dreg:$0x6] =	wrdreg s3  }
0x21: {  	s8 =	sadd.s32 s6, s1;
	s6 =	simm.s32 $0x4900;
	[dreg:$0xf] =	wrdreg s5  }
0x22: {  	s25 =	simm.s32 $0x15900;
	s7 =	simm.s32 $0x5100;
	[dreg:$0x10] =	wrdreg s6  }
0x23: {  	s26 =	simm.s32 $0x16100;
	s19 =	sadd.s32 $0xE00, s8;
	[dreg:$0x11] =	wrdreg s7  }
0x24: {  	s8 =	simm.s32 $0x5900;
	s3 =	sadd.s32 $0x31200, s1;
	s6 =	ssub.s32 s4, s16  }
0x25: {  	s4 =	sadd.s32 $0x31300, s1;
	s5 =	sadd.s32 $0x31400, s1;
	s7 =	simm.s32 $0x5  }
0x26: {  	v2 =	vlaneseq.u32;
	s16 =	simm.s32 $0x11100;
	s1 =	simm.s32 $0x4;
	[dreg:$0x5] =	wrdreg s19  }
0x27: {  	vm0 =	vmmov $0xffff;
	v1 =	vshrl.u32 v2, $0x3;
	[dreg:$0x12] =	wrdreg s8;
	s19 =	simm.s32 $0xA900;
	s6 =	smax.u32 s6, $0x1  }
0x28: {  	v0 =	vand.u32 $0x7, v2;
	v2 =	vor.u32 $0x8, v2;
	v1 =	vmul.u32 $0x8, v1;
	s8 =	simm.s32 $0x100;
	[dreg:$0x1c] =	wrdreg s19;
	s19 =	simm.s32 $0x12900  }
.LBB2_1:
0x29: {  	s0 =	rddreg [dreg:$0x3]  }
0x2a: {  	[tilespmem:s2], [sflag:$0x5] =	stream.linear.gather [hbm4b:s0+s2], $0x40, $0x38;
	[tilespmem:$0x18100] =	vst v63  }
0x2b: {  	_ =	swait.ge [sflag:s7], $0x40  }
0x2c: {  	s0 =	rddreg [dreg:$0x4];
	[sflag:s7] =	ssyncset.done $0x0  }
0x2d: {  	s12 =	rddreg [dreg:$0x7];
	[sflag:s7] =	ssyncadd.s32 $0xFFFFFFC0  }
0x2e: {  	[tilespmem:s12], [sflag:$0x5] =	stream.linear.gather [hbm4b:s0+s2], $0x40, $0x38;
	[tilespmem:$0x18100] =	vst v63  }
0x2f: {  	_ =	swait.ge [sflag:s7], $0x40  }
0x30: {  	[sflag:s7] =	ssyncset.done $0x0  }
0x31: {  	s0 =	rddreg [dreg:$0x5];
	[sflag:s7] =	ssyncadd.s32 $0xFFFFFFC0  }
0x32: {  	[tilespmem:s8], [sflag:$0x1] =	stream.linear.gather [hbm4b:s0+s2], $0xC000, $0x38;
	[tilespmem:$0x18100] =	vst v63  }
0x33: {  	s12 =	rddreg [dreg:$0x6]  }
0x34: {  	[tilespmem:s9], [sflag:$0x2] =	stream.linear.gather [hbm4b:s12+s2], $0xC000, $0x38;
	[tilespmem:$0x18100] =	vst v63  }
0x35: {  	_ =	swait.ge [sflag:s10], $0xC000  }
0x36: {  	[sflag:s10] =	ssyncset.done $0x0  }
0x37: {  	[sflag:s10] =	ssyncadd.s32 $0xFFFF4000  }
0x38: {  	v3 =	vld [tilespmem:$0x0];
	_ =	sdelay $0x4  }
0x39: {  	v4 =	vshrl.u32 v3, $0x3  }
0x3a: {  	v4 =	vmul.u32 $0x30, v4  }
0x3b: {  	v3 =	vand.u32 $0x7, v3  }
0x3c: {  	v3 =	vor.u32 v3, v4  }
0x3d: {  	v4 =	vperm.xlane v3, v0;
	_ =	sdelay $0x1  }
0x3e: {  	v4 =	vadd.s32 v1, v4;
	_ =	sdelay $0x3  }
0x3f: {  	v3 =	vperm.xlane v3, v2  }
0x40: {  	[hbm4b:s3+s2] =	stream.indirect_vreg.scatter [tilespmem:s8], [sflag:$0x3], $0x80, v4, vm0, $0xb8;
	[tilespmem:$0x18100] =	vst v63  }
0x41: {  	s0 =	rddreg [dreg:$0x8];
	v3 =	vadd.s32 v1, v3  }
0x42: {  	[hbm4b:s4+s2] =	stream.indirect_vreg.scatter [tilespmem:s0], [sflag:$0x3], $0x80, v4, vm0, $0xb8;
	[tilespmem:$0x18100] =	vst v63  }
0x43: {  	s12 =	rddreg [dreg:$0x9]  }
0x44: {  	[hbm4b:s5+s2] =	stream.indirect_vreg.scatter [tilespmem:s12], [sflag:$0x3], $0x80, v4, vm0, $0xb8;
	[tilespmem:$0x18100] =	vst v63  }
0x45: {  	s0 =	rddreg [dreg:$0xa]  }
0x46: {  	[hbm4b:s3+s2] =	stream.indirect_vreg.scatter [tilespmem:s0], [sflag:$0x3], $0x80, v3, vm0, $0xb8;
	[tilespmem:$0x18100] =	vst v63  }
0x47: {  	s12 =	rddreg [dreg:$0xb]  }
0x48: {  	[hbm4b:s4+s2] =	stream.indirect_vreg.scatter [tilespmem:s12], [sflag:$0x3], $0x80, v3, vm0, $0xb8;
	[tilespmem:$0x18100] =	vst v63  }
0x49: {  	s0 =	rddreg [dreg:$0xc]  }
0x4a: {  	[hbm4b:s5+s2] =	stream.indirect_vreg.scatter [tilespmem:s0], [sflag:$0x3], $0x80, v3, vm0, $0xb8;
	[tilespmem:$0x18100] =	vst v63  }
0x4b: {  	v3 =	vld [tilespmem:$0x10];
	_ =	sdelay $0x4  }
0x4c: {  	v57 =	vshrl.u32 v3, $0x3  }
0x4d: {  	v4 =	vmul.u32 $0x30, v57  }
0x4e: {  	v3 =	vand.u32 $0x7, v3  }
0x4f: {  	v3 =	vor.u32 v3, v4  }
0x50: {  	v4 =	vperm.xlane v3, v0;
	_ =	sdelay $0x1  }
0x51: {  	v4 =	vadd.s32 v1, v4;
	_ =	sdelay $0x3  }
0x52: {  	s0 =	rddreg [dreg:$0xd];
	v3 =	vperm.xlane v3, v2  }
0x53: {  	[hbm4b:s3+s2] =	stream.indirect_vreg.scatter [tilespmem:s0], [sflag:$0x3], $0x80, v4, vm0, $0xb8;
	[tilespmem:$0x18100] =	vst v63  }
0x54: {  	s12 =	rddreg [dreg:$0xe];
	v3 =	vadd.s32 v1, v3  }
0x55: {  	[hbm4b:s4+s2] =	stream.indirect_vreg.scatter [tilespmem:s12], [sflag:$0x3], $0x80, v4, vm0, $0xb8;
	[tilespmem:$0x18100] =	vst v63  }
0x56: {  	s0 =	rddreg [dreg:$0xf]  }
0x57: {  	[hbm4b:s5+s2] =	stream.indirect_vreg.scatter [tilespmem:s0], [sflag:$0x3], $0x80, v4, vm0, $0xb8;
	[tilespmem:$0x18100] =	vst v63  }
0x58: {  	s12 =	rddreg [dreg:$0x10]  }
0x59: {  	[hbm4b:s3+s2] =	stream.indirect_vreg.scatter [tilespmem:s12], [sflag:$0x3], $0x80, v3, vm0, $0xb8;
	[tilespmem:$0x18100] =	vst v63  }
0x5a: {  	s0 =	rddreg [dreg:$0x11]  }
0x5b: {  	[hbm4b:s4+s2] =	stream.indirect_vreg.scatter [tilespmem:s0], [sflag:$0x3], $0x80, v3, vm0, $0xb8;
	[tilespmem:$0x18100] =	vst v63  }
0x5c: {  	s12 =	rddreg [dreg:$0x12]  }
0x5d: {  	[hbm4b:s5+s2] =	stream.indirect_vreg.scatter [tilespmem:s12], [sflag:$0x3], $0x80, v3, vm0, $0xb8;
	[tilespmem:$0x18100] =	vst v63  }
0x5e: {  	v3 =	vld [tilespmem:$0x20];
	_ =	sdelay $0x4  }
0x5f: {  	v58 =	vshrl.u32 v3, $0x3  }
0x60: {  	v4 =	vmul.u32 $0x30, v58  }
0x61: {  	v3 =	vand.u32 $0x7, v3  }
0x62: {  	v3 =	vor.u32 v3, v4  }
0x63: {  	v4 =	vperm.xlane v3, v0;
	_ =	sdelay $0x1  }
0x64: {  	v4 =	vadd.s32 v1, v4;
	_ =	sdelay $0x3  }
0x65: {  	s0 =	rddreg [dreg:$0x13];
	v3 =	vperm.xlane v3, v2  }
0x66: {  	[hbm4b:s3+s2] =	stream.indirect_vreg.scatter [tilespmem:s0], [sflag:$0x3], $0x80, v4, vm0, $0xb8;
	[tilespmem:$0x18100] =	vst v63  }
0x67: {  	s12 =	rddreg [dreg:$0x14];
	v3 =	vadd.s32 v1, v3  }
0x68: {  	[hbm4b:s4+s2] =	stream.indirect_vreg.scatter [tilespmem:s12], [sflag:$0x3], $0x80, v4, vm0, $0xb8;
	[tilespmem:$0x18100] =	vst v63  }
0x69: {  	s0 =	rddreg [dreg:$0x15]  }
0x6a: {  	[hbm4b:s5+s2] =	stream.indirect_vreg.scatter [tilespmem:s0], [sflag:$0x3], $0x80, v4, vm0, $0xb8;
	[tilespmem:$0x18100] =	vst v63  }
0x6b: {  	s12 =	rddreg [dreg:$0x16]  }
0x6c: {  	[hbm4b:s3+s2] =	stream.indirect_vreg.scatter [tilespmem:s12], [sflag:$0x3], $0x80, v3, vm0, $0xb8;
	[tilespmem:$0x18100] =	vst v63  }
0x6d: {  	s0 =	rddreg [dreg:$0x17]  }
0x6e: {  	[hbm4b:s4+s2] =	stream.indirect_vreg.scatter [tilespmem:s0], [sflag:$0x3], $0x80, v3, vm0, $0xb8;
	[tilespmem:$0x18100] =	vst v63  }
0x6f: {  	s12 =	rddreg [dreg:$0x18]  }
0x70: {  	[hbm4b:s5+s2] =	stream.indirect_vreg.scatter [tilespmem:s12], [sflag:$0x3], $0x80, v3, vm0, $0xb8;
	[tilespmem:$0x18100] =	vst v63  }
0x71: {  	v3 =	vld [tilespmem:$0x30];
	_ =	sdelay $0x4  }
0x72: {  	v59 =	vshrl.u32 v3, $0x3  }
0x73: {  	v4 =	vmul.u32 $0x30, v59  }
0x74: {  	v3 =	vand.u32 $0x7, v3  }
0x75: {  	v3 =	vor.u32 v3, v4  }
0x76: {  	v4 =	vperm.xlane v3, v0;
	_ =	sdelay $0x1  }
0x77: {  	v4 =	vadd.s32 v1, v4;
	_ =	sdelay $0x3  }
0x78: {  	s0 =	rddreg [dreg:$0x19];
	v3 =	vperm.xlane v3, v2  }
0x79: {  	[hbm4b:s3+s2] =	stream.indirect_vreg.scatter [tilespmem:s0], [sflag:$0x3], $0x80, v4, vm0, $0xb8;
	[tilespmem:$0x18100] =	vst v63  }
0x7a: {  	s12 =	rddreg [dreg:$0x1a];
	v3 =	vadd.s32 v1, v3  }
0x7b: {  	[hbm4b:s4+s2] =	stream.indirect_vreg.scatter [tilespmem:s12], [sflag:$0x3], $0x80, v4, vm0, $0xb8;
	[tilespmem:$0x18100] =	vst v63  }
0x7c: {  	s0 =	rddreg [dreg:$0x1b]  }
0x7d: {  	[hbm4b:s5+s2] =	stream.indirect_vreg.scatter [tilespmem:s0], [sflag:$0x3], $0x80, v4, vm0, $0xb8;
	[tilespmem:$0x18100] =	vst v63  }
0x7e: {  	s12 =	rddreg [dreg:$0x1c]  }
0x7f: {  	[hbm4b:s3+s2] =	stream.indirect_vreg.scatter [tilespmem:s12], [sflag:$0x3], $0x80, v3, vm0, $0xb8;
	[tilespmem:$0x18100] =	vst v63  }
0x80: {  	s0 =	rddreg [dreg:$0x1d]  }
0x81: {  	[hbm4b:s4+s2] =	stream.indirect_vreg.scatter [tilespmem:s0], [sflag:$0x3], $0x80, v3, vm0, $0xb8;
	[tilespmem:$0x18100] =	vst v63  }
0x82: {  	s12 =	rddreg [dreg:$0x1e]  }
0x83: {  	[hbm4b:s5+s2] =	stream.indirect_vreg.scatter [tilespmem:s12], [sflag:$0x3], $0x80, v3, vm0, $0xb8;
	[tilespmem:$0x18100] =	vst v63  }
0x84: {  	_ =	swait.ge [sflag:s11], $0xC000  }
0x85: {  	[sflag:s11] =	ssyncset.done $0x0  }
0x86: {  	[sflag:s11] =	ssyncadd.s32 $0xFFFF4000  }
0x87: {  	v3 =	vld [tilespmem:$0x80];
	_ =	sdelay $0x4  }
0x88: {  	v60 =	vshrl.u32 v3, $0x3  }
0x89: {  	v4 =	vmul.u32 $0x30, v60  }
0x8a: {  	v3 =	vand.u32 $0x7, v3  }
0x8b: {  	v3 =	vor.u32 v3, v4  }
0x8c: {  	v4 =	vperm.xlane v3, v0;
	_ =	sdelay $0x1  }
0x8d: {  	v4 =	vadd.s32 v1, v4;
	_ =	sdelay $0x3  }
0x8e: {  	s0 =	rddreg [dreg:$0x1f];
	v3 =	vperm.xlane v3, v2  }
0x8f: {  	[hbm4b:s3+s2] =	stream.indirect_vreg.scatter [tilespmem:s9], [sflag:$0x4], $0x80, v4, vm0, $0xb8;
	[tilespmem:$0x18100] =	vst v63  }
0x90: {  	s12 =	sld [smem:$0x7FA];
	v3 =	vadd.s32 v1, v3  }
0x91: {  	[hbm4b:s4+s2] =	stream.indirect_vreg.scatter [tilespmem:s0], [sflag:$0x4], $0x80, v4, vm0, $0xb8;
	[tilespmem:$0x18100] =	vst v63  }
0x92: {  	s0 =	sld [smem:$0x7FB]  }
0x93: {  	[hbm4b:s5+s2] =	stream.indirect_vreg.scatter [tilespmem:s12], [sflag:$0x4], $0x80, v4, vm0, $0xb8;
	[tilespmem:$0x18100] =	vst v63  }
0x94: {  	s12 =	sld [smem:$0x7FC]  }
0x95: {  	[hbm4b:s3+s2] =	stream.indirect_vreg.scatter [tilespmem:s0], [sflag:$0x4], $0x80, v3, vm0, $0xb8;
	[tilespmem:$0x18100] =	vst v63  }
0x96: {  	s0 =	sld [smem:$0x7FD]  }
0x97: {  	[hbm4b:s4+s2] =	stream.indirect_vreg.scatter [tilespmem:s12], [sflag:$0x4], $0x80, v3, vm0, $0xb8;
	[tilespmem:$0x18100] =	vst v63  }
0x98: {  	_ = 	snop  }
0x99: {  	[hbm4b:s5+s2] =	stream.indirect_vreg.scatter [tilespmem:s0], [sflag:$0x4], $0x80, v3, vm0, $0xb8;
	[tilespmem:$0x18100] =	vst v63  }
0x9a: {  	v3 =	vld [tilespmem:$0x90];
	_ =	sdelay $0x4  }
0x9b: {  	v61 =	vshrl.u32 v3, $0x3  }
0x9c: {  	v4 =	vmul.u32 $0x30, v61  }
0x9d: {  	v3 =	vand.u32 $0x7, v3  }
0x9e: {  	v3 =	vor.u32 v3, v4  }
0x9f: {  	v4 =	vperm.xlane v3, v0;
	_ =	sdelay $0x1  }
0xa0: {  	v4 =	vadd.s32 v1, v4;
	_ =	sdelay $0x3  }
0xa1: {  	s12 =	simm.s32 $0xF100;
	v3 =	vperm.xlane v3, v2  }
0xa2: {  	[hbm4b:s3+s2] =	stream.indirect_vreg.scatter [tilespmem:s12], [sflag:$0x4], $0x80, v4, vm0, $0xb8;
	[tilespmem:$0x18100] =	vst v63  }
0xa3: {  	v3 =	vadd.s32 v1, v3  }
0xa4: {  	[hbm4b:s4+s2] =	stream.indirect_vreg.scatter [tilespmem:s13], [sflag:$0x4], $0x80, v4, vm0, $0xb8;
	[tilespmem:$0x18100] =	vst v63  }
0xa5: {  	_ = 	snop  }
0xa6: {  	[hbm4b:s5+s2] =	stream.indirect_vreg.scatter [tilespmem:s14], [sflag:$0x4], $0x80, v4, vm0, $0xb8;
	[tilespmem:$0x18100] =	vst v63  }
0xa7: {  	_ = 	snop  }
0xa8: {  	[hbm4b:s3+s2] =	stream.indirect_vreg.scatter [tilespmem:s15], [sflag:$0x4], $0x80, v3, vm0, $0xb8;
	[tilespmem:$0x18100] =	vst v63  }
0xa9: {  	_ = 	snop  }
0xaa: {  	[hbm4b:s4+s2] =	stream.indirect_vreg.scatter [tilespmem:s16], [sflag:$0x4], $0x80, v3, vm0, $0xb8;
	[tilespmem:$0x18100] =	vst v63  }
0xab: {  	_ = 	snop  }
0xac: {  	[hbm4b:s5+s2] =	stream.indirect_vreg.scatter [tilespmem:s17], [sflag:$0x4], $0x80, v3, vm0, $0xb8;
	[tilespmem:$0x18100] =	vst v63  }
0xad: {  	v3 =	vld [tilespmem:$0xA0];
	_ =	sdelay $0x4  }
0xae: {  	v62 =	vshrl.u32 v3, $0x3  }
0xaf: {  	v4 =	vmul.u32 $0x30, v62  }
0xb0: {  	v3 =	vand.u32 $0x7, v3  }
0xb1: {  	v3 =	vor.u32 v3, v4  }
0xb2: {  	v4 =	vperm.xlane v3, v0;
	_ =	sdelay $0x1  }
0xb3: {  	v4 =	vadd.s32 v1, v4;
	_ =	sdelay $0x3  }
0xb4: {  	v3 =	vperm.xlane v3, v2  }
0xb5: {  	[hbm4b:s3+s2] =	stream.indirect_vreg.scatter [tilespmem:s18], [sflag:$0x4], $0x80, v4, vm0, $0xb8;
	[tilespmem:$0x18100] =	vst v63  }
0xb6: {  	v3 =	vadd.s32 v1, v3  }
0xb7: {  	[hbm4b:s4+s2] =	stream.indirect_vreg.scatter [tilespmem:s19], [sflag:$0x4], $0x80, v4, vm0, $0xb8;
	[tilespmem:$0x18100] =	vst v63  }
0xb8: {  	_ = 	snop  }
0xb9: {  	[hbm4b:s5+s2] =	stream.indirect_vreg.scatter [tilespmem:s20], [sflag:$0x4], $0x80, v4, vm0, $0xb8;
	[tilespmem:$0x18100] =	vst v63  }
0xba: {  	_ = 	snop  }
0xbb: {  	[hbm4b:s3+s2] =	stream.indirect_vreg.scatter [tilespmem:s21], [sflag:$0x4], $0x80, v3, vm0, $0xb8;
	[tilespmem:$0x18100] =	vst v63  }
0xbc: {  	_ = 	snop  }
0xbd: {  	[hbm4b:s4+s2] =	stream.indirect_vreg.scatter [tilespmem:s22], [sflag:$0x4], $0x80, v3, vm0, $0xb8;
	[tilespmem:$0x18100] =	vst v63  }
0xbe: {  	_ = 	snop  }
0xbf: {  	[hbm4b:s5+s2] =	stream.indirect_vreg.scatter [tilespmem:s23], [sflag:$0x4], $0x80, v3, vm0, $0xb8;
	[tilespmem:$0x18100] =	vst v63  }
0xc0: {  	v3 =	vld [tilespmem:$0xB0];
	_ =	sdelay $0x4  }
0xc1: {  	v63 =	vshrl.u32 v3, $0x3  }
0xc2: {  	v4 =	vmul.u32 $0x30, v63  }
0xc3: {  	v3 =	vand.u32 $0x7, v3  }
0xc4: {  	v3 =	vor.u32 v3, v4  }
0xc5: {  	v4 =	vperm.xlane v3, v0;
	_ =	sdelay $0x1  }
0xc6: {  	v4 =	vadd.s32 v1, v4;
	_ =	sdelay $0x3  }
0xc7: {  	v3 =	vperm.xlane v3, v2  }
0xc8: {  	[hbm4b:s3+s2] =	stream.indirect_vreg.scatter [tilespmem:s24], [sflag:$0x4], $0x80, v4, vm0, $0xb8;
	[tilespmem:$0x18100] =	vst v63  }
0xc9: {  	v3 =	vadd.s32 v1, v3  }
0xca: {  	[hbm4b:s4+s2] =	stream.indirect_vreg.scatter [tilespmem:s25], [sflag:$0x4], $0x80, v4, vm0, $0xb8;
	[tilespmem:$0x18100] =	vst v63  }
0xcb: {  	_ = 	snop  }
0xcc: {  	[hbm4b:s5+s2] =	stream.indirect_vreg.scatter [tilespmem:s26], [sflag:$0x4], $0x80, v4, vm0, $0xb8;
	[tilespmem:$0x18100] =	vst v63  }
0xcd: {  	_ = 	snop  }
0xce: {  	[hbm4b:s3+s2] =	stream.indirect_vreg.scatter [tilespmem:s28], [sflag:$0x4], $0x80, v3, vm0, $0xb8;
	[tilespmem:$0x18100] =	vst v63  }
0xcf: {  	_ = 	snop  }
0xd0: {  	[hbm4b:s4+s2] =	stream.indirect_vreg.scatter [tilespmem:s29], [sflag:$0x4], $0x80, v3, vm0, $0xb8;
	[tilespmem:$0x18100] =	vst v63  }
0xd1: {  	_ = 	snop  }
0xd2: {  	[hbm4b:s5+s2] =	stream.indirect_vreg.scatter [tilespmem:s30], [sflag:$0x4], $0x80, v3, vm0, $0xb8;
	[tilespmem:$0x18100] =	vst v63  }
0xd3: {  	p0 =	sne.s32 s6, $0x1;
	_ =	swait.ge [sflag:s31], $0xC000  }
.Ltmp0:
0xd4: {  	[sflag:s31] =	ssyncset.done $0x0;
	(pc) =	sbr.rel @p0 .LBB2_1-.Ltmp0, $4  }
0xd5: {  	[sflag:s31] =	ssyncadd.s32 $0xFFFF4000  }
0xd6: {  	_ =	swait.ge [sflag:s1], $0xC000  }
0xd7: {  	[sflag:s1] =	ssyncset.done $0x0  }
0xd8: {  	s6 =	sadd.s32 $0xFFFFFFFF, s6;
	[sflag:s1] =	ssyncadd.s32 $0xFFFF4000  }
0xd9: {  	_ =	sfence.sel $0x180000  }
0xda: {  	[bflag:$0x0] =	sbarrier.arrive $0xFFFF  }
0xdb: {  	_ =	strace $0x90000047  }
0xdc: {  	s0 =	stileid.u32;
	[bflag:$0x2] =	sbarrier.arrive $0xFFFF  }
0xdd: {  	p0 =	sne.s32 s0, $0x0;
	s0 =	rddreg [dreg:$0x2]  }
0xde: {  	s0 =	sadd.s32 @!p0 $0x100000, s0  }
0xdf: {  	[sflag:s0] =	ssyncadd.tile.s32 @!p0 $0x1;
	_ =	shalt  }
.Lfunc_end2:
_tile_overlayer_lowered:
.L_overlay_start_2:
0xe0: {  	(tag) =	ssettag $0x2  }
0xe1: {  	s0 =	rddreg [dreg:$0x0];
	s2 =	stileid.u32  }
0xe2: {  	s1 =	rddreg [dreg:$0x1];
	p0 =	sne.s32 s2, $0x0  }
0xe3: {  	s3 =	rddreg [dreg:$0x2];
	[bflag:$0x3] =	sbarrier.arrive $0xFFFF;
	s2 =	simm.s32 @!p0 $0x1C05  }
0xe4: {  	[timem:s3], [sflag:s2] =	dma.local @!p0 [hbm:s0], s1  }
0xe5: {  	s0 =	simm.s32 @!p0 $0x5  }
0xe6: {  	_ =	swait.ge @!p0 [sflag:s0], s1  }
0xe7: {  	s1 =	ssub.s32 @!p0 $0x0, s1;
	[sflag:s0] =	ssyncset.done @!p0 $0x0  }
0xe8: {  	[sflag:s0] =	ssyncadd.s32 @!p0 s1  }
0xe9: {  	[bflag:$0x3] =	sbarrier.arrive $0xFFFF  }
0xea: {  	_ =	shalt  }

</sc_bundles>
